<compile_context>
chip_gen: v7x
topology: tpu7x:2x2x1
jax: 0.10.2.dev20260603
libtpu: 0.0.44.dev20260713+nightly
codegen_flags: <defaults>
</compile_context>

<pallas_src>
import functools

import jax
import jax.numpy as jnp
from jax import lax
from jax.experimental import pallas as pl
from jax.experimental.pallas import tpu as pltpu
from jax.experimental.pallas import tpu_sc as plsc

N = 32768
H = 256
B = 16
BLK = 4096
CH = 4096
NB = N // BLK
WIN = N // 16


@functools.partial(
    pl.kernel,
    out_type=jax.ShapeDtypeStruct((B, H), jnp.float32),
    scratch_types=[
        pltpu.VMEM((16 * 8 + 16,), jnp.int32),
        pltpu.VMEM((WIN + 16,), jnp.int32),
        pltpu.VMEM((1, H), jnp.float32),
        pltpu.SemaphoreType.DMA,
    ],
    mesh=plsc.VectorSubcoreMesh(core_axis_name="c", subcore_axis_name="s"),
)
def _sc_gather_last(x_hbm, batch_hbm, vn_hbm, samp_v, win_v, row_v, sem):
    c = lax.axis_index("c")
    s = lax.axis_index("s")

    @pl.when(c == 0)
    def _():
        b = s
        cps = []
        for k in range(16):
            cp = pltpu.make_async_copy(
                batch_hbm.at[pl.ds((k + 1) * WIN - 8, 8)],
                samp_v.at[pl.ds(k * 8, 8)],
                sem)
            cp.start()
            cps.append(cp)
        for cp in cps:
            cp.wait()
        n_full = jnp.int32(0)
        for k in range(16):
            vk = samp_v[pl.ds(k * 8, 16)]
            n_full += jnp.where(vk[7] <= b, jnp.int32(1), jnp.int32(0))
        base = jnp.minimum(n_full, jnp.int32(15)) * WIN
        pltpu.sync_copy(batch_hbm.at[pl.ds(base, WIN)],
                        win_v.at[pl.ds(0, WIN)])
        pos = jnp.int32(0)
        sh = WIN // 2
        while sh >= 1:
            cand = pos + sh
            vec = win_v[pl.ds(cand - 1, 16)]
            le = vec[0] <= b
            pos = jnp.where(le, jnp.int32(cand), pos)
            sh //= 2
        last = jnp.where(b == B - 1, jnp.int32(N - 1), base + pos - 1)
        pltpu.sync_copy(x_hbm.at[pl.ds(last, 1), :], row_v)
        pltpu.sync_copy(row_v, vn_hbm.at[pl.ds(b, 1), :])


def _fused_kernel(x_ref,
                  batch_ref,
                  nc_ref,
                  w1_ref,
                  w2_ref,
                  b1_ref,
                  b2_ref,
                  q_ref,
                  qb_ref,
                  w3_ref,
                  b3_ref,
                  vn_ref,
                  out_ref,
                  a_ref,
                  sg_ref,
                  w2bf_ref):
    i = pl.program_id(0)

    @pl.when(i == 0)
    def _prologue():
        sg_ref[...] = jnp.zeros_like(sg_ref)
        a_ref[...] = (
            lax.dot_general(vn_ref[...], w1_ref[...],
                            (((1,), (1,)), ((), ())),
                            preferred_element_type=jnp.float32)
            + b1_ref[...] + b2_ref[...])
        w2bf_ref[...] = w2_ref[...].astype(jnp.bfloat16)

    b_iota = lax.broadcasted_iota(jnp.int32, (B, CH), 0)
    acc = None
    for c in range(BLK // CH):
        sl = pl.ds(c * CH, CH)
        x_bf = x_ref[sl, :].astype(jnp.bfloat16)
        batch_row = batch_ref[0, :, sl]
        oh_t = (batch_row == b_iota).astype(jnp.float32)
        m = lax.dot_general(x_bf, w2bf_ref[...],
                            (((1,), (1,)), ((), ())),
                            preferred_element_type=jnp.float32)
        a_tok = lax.dot_general(oh_t, a_ref[...],
                                (((0,), (0,)), ((), ())),
                                preferred_element_type=jnp.float32)
        z = m + a_tok
        gate = 1.0 / (1.0 + jnp.exp2(z * (-1.4426950408889634)))
        alpha = lax.dot_general(q_ref[...], gate,
                                (((1,), (1,)), ((), ())),
                                preferred_element_type=jnp.float32)
        scale = (alpha + qb_ref[...]) * nc_ref[0, :, sl]
        d = jnp.dot((oh_t * scale).astype(jnp.bfloat16), x_bf,
                    preferred_element_type=jnp.float32)
        acc = d if acc is None else acc + d
    sg_ref[...] += acc

    @pl.when(i == NB - 1)
    def _epilogue():
        out_ref[...] = (
            lax.dot_general(vn_ref[...], w3_ref[:, :H],
                            (((1,), (1,)), ((), ())),
                            preferred_element_type=jnp.float32)
            + lax.dot_general(sg_ref[...], w3_ref[:, H:],
                              (((1,), (1,)), ((), ())),
                              preferred_element_type=jnp.float32)
            + b3_ref[...])


@jax.jit
def kernel(node_embedding, batch, num_count, W1_w, W1_b, W2_w, W2_b,
           q_w, q_b, W3_w, W3_b):
    vn = _sc_gather_last(node_embedding, batch)

    batch_blk = batch.reshape(NB, 1, BLK)
    nc_blk = num_count.reshape(NB, 1, BLK)

    const2 = lambda i: (0, 0)
    out = pl.pallas_call(
        _fused_kernel,
        grid=(NB,),
        in_specs=[
            pl.BlockSpec((BLK, H), lambda i: (i, 0)),
            pl.BlockSpec((1, 1, BLK), lambda i: (i, 0, 0)),
            pl.BlockSpec((1, 1, BLK), lambda i: (i, 0, 0)),
            pl.BlockSpec((H, H), const2),
            pl.BlockSpec((H, H), const2),
            pl.BlockSpec((1, H), const2),
            pl.BlockSpec((1, H), const2),
            pl.BlockSpec((1, H), const2),
            pl.BlockSpec((1, 1), const2),
            pl.BlockSpec((H, 2 * H), const2),
            pl.BlockSpec((1, H), const2),
            pl.BlockSpec((B, H), const2),
        ],
        out_specs=pl.BlockSpec((B, H), const2),
        out_shape=jax.ShapeDtypeStruct((B, H), jnp.float32),
        scratch_shapes=[
            pltpu.VMEM((B, H), jnp.float32),
            pltpu.VMEM((B, H), jnp.float32),
            pltpu.VMEM((H, H), jnp.bfloat16),
        ],
        compiler_params=pltpu.CompilerParams(
            dimension_semantics=("arbitrary",)),
    )(node_embedding, batch_blk, nc_blk,
      W1_w, W2_w, W1_b.reshape(1, H), W2_b.reshape(1, H), q_w,
      q_b.reshape(1, 1), W3_w, W3_b.reshape(1, H), vn)
    return out

# --- scband reference (transcript-rebuilt; emitter-appended) ---
"""Pipeline reference for scband-item2-session-embedding-21345987461276 (READ-ONLY COPY).

The authoritative reference and input builder live on the scoring server;
editing this copy changes nothing except your own understanding.
"""

import jax, jax.numpy as jnp
import numpy as np

N = 32768
H = 256
B = 16

def setup_inputs(seed: int = 0) -> dict:
    key = jax.random.key(seed)
    ks = jax.random.split(key, 12)
    node_embedding = jax.random.normal(ks[0], (N, H), dtype=jnp.float32)
    batch = jnp.sort(jax.random.randint(ks[1], (N,), 0, B, dtype=jnp.int32))
    num_count = jax.random.uniform(ks[2], (N,), dtype=jnp.float32)
    s = 1.0 / np.sqrt(H)
    W1_w = jax.random.uniform(ks[3], (H, H), dtype=jnp.float32, minval=-s, maxval=s)
    W1_b = jax.random.uniform(ks[4], (H,), dtype=jnp.float32, minval=-s, maxval=s)
    W2_w = jax.random.uniform(ks[5], (H, H), dtype=jnp.float32, minval=-s, maxval=s)
    W2_b = jax.random.uniform(ks[6], (H,), dtype=jnp.float32, minval=-s, maxval=s)
    q_w = jax.random.uniform(ks[7], (1, H), dtype=jnp.float32, minval=-s, maxval=s)
    q_b = jax.random.uniform(ks[8], (1,), dtype=jnp.float32, minval=-s, maxval=s)
    s3 = 1.0 / np.sqrt(2 * H)
    W3_w = jax.random.uniform(ks[9], (H, 2 * H), dtype=jnp.float32, minval=-s3, maxval=s3)
    W3_b = jax.random.uniform(ks[10], (H,), dtype=jnp.float32, minval=-s3, maxval=s3)
    return {"node_embedding": node_embedding, "batch": batch, "num_count": num_count,
            "W1_w": W1_w, "W1_b": W1_b, "W2_w": W2_w, "W2_b": W2_b,
            "q_w": q_w, "q_b": q_b, "W3_w": W3_w, "W3_b": W3_b}

def reference(node_embedding, batch, num_count, W1_w, W1_b, W2_w, W2_b, q_w, q_b, W3_w, W3_b):
    n = node_embedding.shape[0]
    # last node index of each session (batch ids are sorted, all sessions non-empty)
    last_idx = jax.ops.segment_max(jnp.arange(n), batch, num_segments=B)
    v_n = node_embedding[last_idx]                      # [B, H] last node per session
    v_n_repeat = v_n[batch]                             # [N, H] broadcast back to tokens
    gate = jax.nn.sigmoid(v_n_repeat @ W1_w.T + W1_b + node_embedding @ W2_w.T + W2_b)
    alpha = gate @ q_w.T + q_b                          # [N, 1]
    s_g_whole = num_count[:, None] * alpha * node_embedding
    s_g = jax.ops.segment_sum(s_g_whole, batch, num_segments=B)  # [B, H]
    s_h = jnp.concatenate([v_n, s_g], axis=1) @ W3_w.T + W3_b    # [B, H]
    return s_h

if __name__ == "__main__":
    import jax
    _d = setup_inputs()
    print(jax.jit(kernel)(*tuple(_d.values())))

</pallas_src>

<mosaic_0001>
#map = affine_map<(d0, d1) -> (0, 0)>
#map1 = affine_map<(d0, d1) -> (0)>
module attributes {stable_mosaic.version = 14 : i64} {
  func.func @_sc_gather_last(%arg0: i32, %arg1: i32, %arg2: memref<32768x256xf32, #tpu.memory_space<hbm>>, %arg3: memref<32768xi32, #tpu.memory_space<hbm>>, %arg4: memref<16x256xf32, #tpu.memory_space<hbm>>, %arg5: memref<144xi32, #tpu.memory_space<vmem>>, %arg6: memref<2064xi32, #tpu.memory_space<vmem>>, %arg7: memref<1x256xf32, #tpu.memory_space<vmem>>, %arg8: memref<!tpu.dma_semaphore, #tpu.memory_space<semaphore_mem>>) attributes {dimension_semantics = [#tpu.dimension_semantics<core_parallel>, #tpu.dimension_semantics<subcore_parallel>], iteration_bounds = array<i64: 2, 16>, scalar_prefetch = 0 : i64, scratch_operands = 4 : i64, tpu.core_type = #tpu.core_type<sc_vector_subcore>, window_params = [{transform_indices = #map}, {transform_indices = #map1}, {transform_indices = #map}]} {
    %eq3A = arith.constant 0 : i32
    %eq3A_0 = arith.cmpi eq, %arg0, %eq3A : i32
    %convert_element_type3A = arith.extui %eq3A_0 : i1 to i32
    %cond3A = arith.constant 0 : i32
    %cond3A_1 = arith.cmpi ne, %convert_element_type3A, %cond3A : i32
    scf.if %cond3A_1 {
      %dma_start3A = arith.constant 0 : i32
      %dma_start3A_2 = tpu.memref_slice %arg5[%dma_start3A] : memref<144xi32, #tpu.memory_space<vmem>> -> memref<8xi32, #tpu.memory_space<vmem>>
      %dma_start3A_3 = arith.constant 2040 : i32
      %dma_start3A_4 = tpu.memref_slice %arg3[%dma_start3A_3] : memref<32768xi32, #tpu.memory_space<hbm>> -> memref<8xi32, #tpu.memory_space<hbm>>
      %dma_start3A_5 = arith.constant 0 : i32
      %dma_start3A_6 = tpu.memref_slice %arg5[%dma_start3A_5] : memref<144xi32, #tpu.memory_space<vmem>> -> memref<8xi32, #tpu.memory_space<vmem>>
      %dma_start3A_7 = arith.constant 2040 : i32
      %dma_start3A_8 = tpu.memref_slice %arg3[%dma_start3A_7] : memref<32768xi32, #tpu.memory_space<hbm>> -> memref<8xi32, #tpu.memory_space<hbm>>
      tpu.enqueue_dma source(%dma_start3A_8 : memref<8xi32, #tpu.memory_space<hbm>>) target(%dma_start3A_6 : memref<8xi32, #tpu.memory_space<vmem>>) target_semaphore(%arg8 : memref<!tpu.dma_semaphore, #tpu.memory_space<semaphore_mem>>)
      %dma_start3A_9 = arith.constant 8 : i32
      %dma_start3A_10 = tpu.memref_slice %arg5[%dma_start3A_9] : memref<144xi32, #tpu.memory_space<vmem>> -> memref<8xi32, #tpu.memory_space<vmem>>
      %dma_start3A_11 = arith.constant 4088 : i32
      %dma_start3A_12 = tpu.memref_slice %arg3[%dma_start3A_11] : memref<32768xi32, #tpu.memory_space<hbm>> -> memref<8xi32, #tpu.memory_space<hbm>>
      %dma_start3A_13 = arith.constant 8 : i32
      %dma_start3A_14 = tpu.memref_slice %arg5[%dma_start3A_13] : memref<144xi32, #tpu.memory_space<vmem>> -> memref<8xi32, #tpu.memory_space<vmem>>
      %dma_start3A_15 = arith.constant 4088 : i32
      %dma_start3A_16 = tpu.memref_slice %arg3[%dma_start3A_15] : memref<32768xi32, #tpu.memory_space<hbm>> -> memref<8xi32, #tpu.memory_space<hbm>>
      tpu.enqueue_dma source(%dma_start3A_16 : memref<8xi32, #tpu.memory_space<hbm>>) target(%dma_start3A_14 : memref<8xi32, #tpu.memory_space<vmem>>) target_semaphore(%arg8 : memref<!tpu.dma_semaphore, #tpu.memory_space<semaphore_mem>>)
      %dma_start3A_17 = arith.constant 16 : i32
      %dma_start3A_18 = tpu.memref_slice %arg5[%dma_start3A_17] : memref<144xi32, #tpu.memory_space<vmem>> -> memref<8xi32, #tpu.memory_space<vmem>>
      %dma_start3A_19 = arith.constant 6136 : i32
      %dma_start3A_20 = tpu.memref_slice %arg3[%dma_start3A_19] : memref<32768xi32, #tpu.memory_space<hbm>> -> memref<8xi32, #tpu.memory_space<hbm>>
      %dma_start3A_21 = arith.constant 16 : i32
      %dma_start3A_22 = tpu.memref_slice %arg5[%dma_start3A_21] : memref<144xi32, #tpu.memory_space<vmem>> -> memref<8xi32, #tpu.memory_space<vmem>>
      %dma_start3A_23 = arith.constant 6136 : i32
      %dma_start3A_24 = tpu.memref_slice %arg3[%dma_start3A_23] : memref<32768xi32, #tpu.memory_space<hbm>> -> memref<8xi32, #tpu.memory_space<hbm>>
      tpu.enqueue_dma source(%dma_start3A_24 : memref<8xi32, #tpu.memory_space<hbm>>) target(%dma_start3A_22 : memref<8xi32, #tpu.memory_space<vmem>>) target_semaphore(%arg8 : memref<!tpu.dma_semaphore, #tpu.memory_space<semaphore_mem>>)
      %dma_start3A_25 = arith.constant 24 : i32
      %dma_start3A_26 = tpu.memref_slice %arg5[%dma_start3A_25] : memref<144xi32, #tpu.memory_space<vmem>> -> memref<8xi32, #tpu.memory_space<vmem>>
      %dma_start3A_27 = arith.constant 8184 : i32
      %dma_start3A_28 = tpu.memref_slice %arg3[%dma_start3A_27] : memref<32768xi32, #tpu.memory_space<hbm>> -> memref<8xi32, #tpu.memory_space<hbm>>
      %dma_start3A_29 = arith.constant 24 : i32
      %dma_start3A_30 = tpu.memref_slice %arg5[%dma_start3A_29] : memref<144xi32, #tpu.memory_space<vmem>> -> memref<8xi32, #tpu.memory_space<vmem>>
      %dma_start3A_31 = arith.constant 8184 : i32
      %dma_start3A_32 = tpu.memref_slice %arg3[%dma_start3A_31] : memref<32768xi32, #tpu.memory_space<hbm>> -> memref<8xi32, #tpu.memory_space<hbm>>
      tpu.enqueue_dma source(%dma_start3A_32 : memref<8xi32, #tpu.memory_space<hbm>>) target(%dma_start3A_30 : memref<8xi32, #tpu.memory_space<vmem>>) target_semaphore(%arg8 : memref<!tpu.dma_semaphore, #tpu.memory_space<semaphore_mem>>)
      %dma_start3A_33 = arith.constant 32 : i32
      %dma_start3A_34 = tpu.memref_slice %arg5[%dma_start3A_33] : memref<144xi32, #tpu.memory_space<vmem>> -> memref<8xi32, #tpu.memory_space<vmem>>
      %dma_start3A_35 = arith.constant 10232 : i32
      %dma_start3A_36 = tpu.memref_slice %arg3[%dma_start3A_35] : memref<32768xi32, #tpu.memory_space<hbm>> -> memref<8xi32, #tpu.memory_space<hbm>>
      %dma_start3A_37 = arith.constant 32 : i32
      %dma_start3A_38 = tpu.memref_slice %arg5[%dma_start3A_37] : memref<144xi32, #tpu.memory_space<vmem>> -> memref<8xi32, #tpu.memory_space<vmem>>
      %dma_start3A_39 = arith.constant 10232 : i32
      %dma_start3A_40 = tpu.memref_slice %arg3[%dma_start3A_39] : memref<32768xi32, #tpu.memory_space<hbm>> -> memref<8xi32, #tpu.memory_space<hbm>>
      tpu.enqueue_dma source(%dma_start3A_40 : memref<8xi32, #tpu.memory_space<hbm>>) target(%dma_start3A_38 : memref<8xi32, #tpu.memory_space<vmem>>) target_semaphore(%arg8 : memref<!tpu.dma_semaphore, #tpu.memory_space<semaphore_mem>>)
      %dma_start3A_41 = arith.constant 40 : i32
      %dma_start3A_42 = tpu.memref_slice %arg5[%dma_start3A_41] : memref<144xi32, #tpu.memory_space<vmem>> -> memref<8xi32, #tpu.memory_space<vmem>>
      %dma_start3A_43 = arith.constant 12280 : i32
      %dma_start3A_44 = tpu.memref_slice %arg3[%dma_start3A_43] : memref<32768xi32, #tpu.memory_space<hbm>> -> memref<8xi32, #tpu.memory_space<hbm>>
      %dma_start3A_45 = arith.constant 40 : i32
      %dma_start3A_46 = tpu.memref_slice %arg5[%dma_start3A_45] : memref<144xi32, #tpu.memory_space<vmem>> -> memref<8xi32, #tpu.memory_space<vmem>>
      %dma_start3A_47 = arith.constant 12280 : i32
      %dma_start3A_48 = tpu.memref_slice %arg3[%dma_start3A_47] : memref<32768xi32, #tpu.memory_space<hbm>> -> memref<8xi32, #tpu.memory_space<hbm>>
      tpu.enqueue_dma source(%dma_start3A_48 : memref<8xi32, #tpu.memory_space<hbm>>) target(%dma_start3A_46 : memref<8xi32, #tpu.memory_space<vmem>>) target_semaphore(%arg8 : memref<!tpu.dma_semaphore, #tpu.memory_space<semaphore_mem>>)
      %dma_start3A_49 = arith.constant 48 : i32
      %dma_start3A_50 = tpu.memref_slice %arg5[%dma_start3A_49] : memref<144xi32, #tpu.memory_space<vmem>> -> memref<8xi32, #tpu.memory_space<vmem>>
      %dma_start3A_51 = arith.constant 14328 : i32
      %dma_start3A_52 = tpu.memref_slice %arg3[%dma_start3A_51] : memref<32768xi32, #tpu.memory_space<hbm>> -> memref<8xi32, #tpu.memory_space<hbm>>
      %dma_start3A_53 = arith.constant 48 : i32
      %dma_start3A_54 = tpu.memref_slice %arg5[%dma_start3A_53] : memref<144xi32, #tpu.memory_space<vmem>> -> memref<8xi32, #tpu.memory_space<vmem>>
      %dma_start3A_55 = arith.constant 14328 : i32
      %dma_start3A_56 = tpu.memref_slice %arg3[%dma_start3A_55] : memref<32768xi32, #tpu.memory_space<hbm>> -> memref<8xi32, #tpu.memory_space<hbm>>
      tpu.enqueue_dma source(%dma_start3A_56 : memref<8xi32, #tpu.memory_space<hbm>>) target(%dma_start3A_54 : memref<8xi32, #tpu.memory_space<vmem>>) target_semaphore(%arg8 : memref<!tpu.dma_semaphore, #tpu.memory_space<semaphore_mem>>)
      %dma_start3A_57 = arith.constant 56 : i32
      %dma_start3A_58 = tpu.memref_slice %arg5[%dma_start3A_57] : memref<144xi32, #tpu.memory_space<vmem>> -> memref<8xi32, #tpu.memory_space<vmem>>
      %dma_start3A_59 = arith.constant 16376 : i32
      %dma_start3A_60 = tpu.memref_slice %arg3[%dma_start3A_59] : memref<32768xi32, #tpu.memory_space<hbm>> -> memref<8xi32, #tpu.memory_space<hbm>>
      %dma_start3A_61 = arith.constant 56 : i32
      %dma_start3A_62 = tpu.memref_slice %arg5[%dma_start3A_61] : memref<144xi32, #tpu.memory_space<vmem>> -> memref<8xi32, #tpu.memory_space<vmem>>
      %dma_start3A_63 = arith.constant 16376 : i32
      %dma_start3A_64 = tpu.memref_slice %arg3[%dma_start3A_63] : memref<32768xi32, #tpu.memory_space<hbm>> -> memref<8xi32, #tpu.memory_space<hbm>>
      tpu.enqueue_dma source(%dma_start3A_64 : memref<8xi32, #tpu.memory_space<hbm>>) target(%dma_start3A_62 : memref<8xi32, #tpu.memory_space<vmem>>) target_semaphore(%arg8 : memref<!tpu.dma_semaphore, #tpu.memory_space<semaphore_mem>>)
      %dma_start3A_65 = arith.constant 64 : i32
      %dma_start3A_66 = tpu.memref_slice %arg5[%dma_start3A_65] : memref<144xi32, #tpu.memory_space<vmem>> -> memref<8xi32, #tpu.memory_space<vmem>>
      %dma_start3A_67 = arith.constant 18424 : i32
      %dma_start3A_68 = tpu.memref_slice %arg3[%dma_start3A_67] : memref<32768xi32, #tpu.memory_space<hbm>> -> memref<8xi32, #tpu.memory_space<hbm>>
      %dma_start3A_69 = arith.constant 64 : i32
      %dma_start3A_70 = tpu.memref_slice %arg5[%dma_start3A_69] : memref<144xi32, #tpu.memory_space<vmem>> -> memref<8xi32, #tpu.memory_space<vmem>>
      %dma_start3A_71 = arith.constant 18424 : i32
      %dma_start3A_72 = tpu.memref_slice %arg3[%dma_start3A_71] : memref<32768xi32, #tpu.memory_space<hbm>> -> memref<8xi32, #tpu.memory_space<hbm>>
      tpu.enqueue_dma source(%dma_start3A_72 : memref<8xi32, #tpu.memory_space<hbm>>) target(%dma_start3A_70 : memref<8xi32, #tpu.memory_space<vmem>>) target_semaphore(%arg8 : memref<!tpu.dma_semaphore, #tpu.memory_space<semaphore_mem>>)
      %dma_start3A_73 = arith.constant 72 : i32
      %dma_start3A_74 = tpu.memref_slice %arg5[%dma_start3A_73] : memref<144xi32, #tpu.memory_space<vmem>> -> memref<8xi32, #tpu.memory_space<vmem>>
      %dma_start3A_75 = arith.constant 20472 : i32
      %dma_start3A_76 = tpu.memref_slice %arg3[%dma_start3A_75] : memref<32768xi32, #tpu.memory_space<hbm>> -> memref<8xi32, #tpu.memory_space<hbm>>
      %dma_start3A_77 = arith.constant 72 : i32
      %dma_start3A_78 = tpu.memref_slice %arg5[%dma_start3A_77] : memref<144xi32, #tpu.memory_space<vmem>> -> memref<8xi32, #tpu.memory_space<vmem>>
      %dma_start3A_79 = arith.constant 20472 : i32
      %dma_start3A_80 = tpu.memref_slice %arg3[%dma_start3A_79] : memref<32768xi32, #tpu.memory_space<hbm>> -> memref<8xi32, #tpu.memory_space<hbm>>
      tpu.enqueue_dma source(%dma_start3A_80 : memref<8xi32, #tpu.memory_space<hbm>>) target(%dma_start3A_78 : memref<8xi32, #tpu.memory_space<vmem>>) target_semaphore(%arg8 : memref<!tpu.dma_semaphore, #tpu.memory_space<semaphore_mem>>)
      %dma_start3A_81 = arith.constant 80 : i32
      %dma_start3A_82 = tpu.memref_slice %arg5[%dma_start3A_81] : memref<144xi32, #tpu.memory_space<vmem>> -> memref<8xi32, #tpu.memory_space<vmem>>
      %dma_start3A_83 = arith.constant 22520 : i32
      %dma_start3A_84 = tpu.memref_slice %arg3[%dma_start3A_83] : memref<32768xi32, #tpu.memory_space<hbm>> -> memref<8xi32, #tpu.memory_space<hbm>>
      %dma_start3A_85 = arith.constant 80 : i32
      %dma_start3A_86 = tpu.memref_slice %arg5[%dma_start3A_85] : memref<144xi32, #tpu.memory_space<vmem>> -> memref<8xi32, #tpu.memory_space<vmem>>
      %dma_start3A_87 = arith.constant 22520 : i32
      %dma_start3A_88 = tpu.memref_slice %arg3[%dma_start3A_87] : memref<32768xi32, #tpu.memory_space<hbm>> -> memref<8xi32, #tpu.memory_space<hbm>>
      tpu.enqueue_dma source(%dma_start3A_88 : memref<8xi32, #tpu.memory_space<hbm>>) target(%dma_start3A_86 : memref<8xi32, #tpu.memory_space<vmem>>) target_semaphore(%arg8 : memref<!tpu.dma_semaphore, #tpu.memory_space<semaphore_mem>>)
      %dma_start3A_89 = arith.constant 88 : i32
      %dma_start3A_90 = tpu.memref_slice %arg5[%dma_start3A_89] : memref<144xi32, #tpu.memory_space<vmem>> -> memref<8xi32, #tpu.memory_space<vmem>>
      %dma_start3A_91 = arith.constant 24568 : i32
      %dma_start3A_92 = tpu.memref_slice %arg3[%dma_start3A_91] : memref<32768xi32, #tpu.memory_space<hbm>> -> memref<8xi32, #tpu.memory_space<hbm>>
      %dma_start3A_93 = arith.constant 88 : i32
      %dma_start3A_94 = tpu.memref_slice %arg5[%dma_start3A_93] : memref<144xi32, #tpu.memory_space<vmem>> -> memref<8xi32, #tpu.memory_space<vmem>>
      %dma_start3A_95 = arith.constant 24568 : i32
      %dma_start3A_96 = tpu.memref_slice %arg3[%dma_start3A_95] : memref<32768xi32, #tpu.memory_space<hbm>> -> memref<8xi32, #tpu.memory_space<hbm>>
      tpu.enqueue_dma source(%dma_start3A_96 : memref<8xi32, #tpu.memory_space<hbm>>) target(%dma_start3A_94 : memref<8xi32, #tpu.memory_space<vmem>>) target_semaphore(%arg8 : memref<!tpu.dma_semaphore, #tpu.memory_space<semaphore_mem>>)
      %dma_start3A_97 = arith.constant 96 : i32
      %dma_start3A_98 = tpu.memref_slice %arg5[%dma_start3A_97] : memref<144xi32, #tpu.memory_space<vmem>> -> memref<8xi32, #tpu.memory_space<vmem>>
      %dma_start3A_99 = arith.constant 26616 : i32
      %dma_start3A_100 = tpu.memref_slice %arg3[%dma_start3A_99] : memref<32768xi32, #tpu.memory_space<hbm>> -> memref<8xi32, #tpu.memory_space<hbm>>
      %dma_start3A_101 = arith.constant 96 : i32
      %dma_start3A_102 = tpu.memref_slice %arg5[%dma_start3A_101] : memref<144xi32, #tpu.memory_space<vmem>> -> memref<8xi32, #tpu.memory_space<vmem>>
      %dma_start3A_103 = arith.constant 26616 : i32
      %dma_start3A_104 = tpu.memref_slice %arg3[%dma_start3A_103] : memref<32768xi32, #tpu.memory_space<hbm>> -> memref<8xi32, #tpu.memory_space<hbm>>
      tpu.enqueue_dma source(%dma_start3A_104 : memref<8xi32, #tpu.memory_space<hbm>>) target(%dma_start3A_102 : memref<8xi32, #tpu.memory_space<vmem>>) target_semaphore(%arg8 : memref<!tpu.dma_semaphore, #tpu.memory_space<semaphore_mem>>)
      %dma_start3A_105 = arith.constant 104 : i32
      %dma_start3A_106 = tpu.memref_slice %arg5[%dma_start3A_105] : memref<144xi32, #tpu.memory_space<vmem>> -> memref<8xi32, #tpu.memory_space<vmem>>
      %dma_start3A_107 = arith.constant 28664 : i32
      %dma_start3A_108 = tpu.memref_slice %arg3[%dma_start3A_107] : memref<32768xi32, #tpu.memory_space<hbm>> -> memref<8xi32, #tpu.memory_space<hbm>>
      %dma_start3A_109 = arith.constant 104 : i32
      %dma_start3A_110 = tpu.memref_slice %arg5[%dma_start3A_109] : memref<144xi32, #tpu.memory_space<vmem>> -> memref<8xi32, #tpu.memory_space<vmem>>
      %dma_start3A_111 = arith.constant 28664 : i32
      %dma_start3A_112 = tpu.memref_slice %arg3[%dma_start3A_111] : memref<32768xi32, #tpu.memory_space<hbm>> -> memref<8xi32, #tpu.memory_space<hbm>>
      tpu.enqueue_dma source(%dma_start3A_112 : memref<8xi32, #tpu.memory_space<hbm>>) target(%dma_start3A_110 : memref<8xi32, #tpu.memory_space<vmem>>) target_semaphore(%arg8 : memref<!tpu.dma_semaphore, #tpu.memory_space<semaphore_mem>>)
      %dma_start3A_113 = arith.constant 112 : i32
      %dma_start3A_114 = tpu.memref_slice %arg5[%dma_start3A_113] : memref<144xi32, #tpu.memory_space<vmem>> -> memref<8xi32, #tpu.memory_space<vmem>>
      %dma_start3A_115 = arith.constant 30712 : i32
      %dma_start3A_116 = tpu.memref_slice %arg3[%dma_start3A_115] : memref<32768xi32, #tpu.memory_space<hbm>> -> memref<8xi32, #tpu.memory_space<hbm>>
      %dma_start3A_117 = arith.constant 112 : i32
      %dma_start3A_118 = tpu.memref_slice %arg5[%dma_start3A_117] : memref<144xi32, #tpu.memory_space<vmem>> -> memref<8xi32, #tpu.memory_space<vmem>>
      %dma_start3A_119 = arith.constant 30712 : i32
      %dma_start3A_120 = tpu.memref_slice %arg3[%dma_start3A_119] : memref<32768xi32, #tpu.memory_space<hbm>> -> memref<8xi32, #tpu.memory_space<hbm>>
      tpu.enqueue_dma source(%dma_start3A_120 : memref<8xi32, #tpu.memory_space<hbm>>) target(%dma_start3A_118 : memref<8xi32, #tpu.memory_space<vmem>>) target_semaphore(%arg8 : memref<!tpu.dma_semaphore, #tpu.memory_space<semaphore_mem>>)
      %dma_start3A_121 = arith.constant 120 : i32
      %dma_start3A_122 = tpu.memref_slice %arg5[%dma_start3A_121] : memref<144xi32, #tpu.memory_space<vmem>> -> memref<8xi32, #tpu.memory_space<vmem>>
      %dma_start3A_123 = arith.constant 32760 : i32
      %dma_start3A_124 = tpu.memref_slice %arg3[%dma_start3A_123] : memref<32768xi32, #tpu.memory_space<hbm>> -> memref<8xi32, #tpu.memory_space<hbm>>
      %dma_start3A_125 = arith.constant 120 : i32
      %dma_start3A_126 = tpu.memref_slice %arg5[%dma_start3A_125] : memref<144xi32, #tpu.memory_space<vmem>> -> memref<8xi32, #tpu.memory_space<vmem>>
      %dma_start3A_127 = arith.constant 32760 : i32
      %dma_start3A_128 = tpu.memref_slice %arg3[%dma_start3A_127] : memref<32768xi32, #tpu.memory_space<hbm>> -> memref<8xi32, #tpu.memory_space<hbm>>
      tpu.enqueue_dma source(%dma_start3A_128 : memref<8xi32, #tpu.memory_space<hbm>>) target(%dma_start3A_126 : memref<8xi32, #tpu.memory_space<vmem>>) target_semaphore(%arg8 : memref<!tpu.dma_semaphore, #tpu.memory_space<semaphore_mem>>)
      %dma_wait3A = arith.constant 0 : i32
      %dma_wait3A_129 = tpu.memref_slice %arg5[%dma_wait3A] : memref<144xi32, #tpu.memory_space<vmem>> -> memref<8xi32, #tpu.memory_space<vmem>>
      %dma_wait3A_130 = arith.constant 2040 : i32
      %dma_wait3A_131 = tpu.memref_slice %arg3[%dma_wait3A_130] : memref<32768xi32, #tpu.memory_space<hbm>> -> memref<8xi32, #tpu.memory_space<hbm>>
      %dma_wait3A_132 = arith.constant 0 : i32
      %dma_wait3A_133 = tpu.memref_slice %arg5[%dma_wait3A_132] : memref<144xi32, #tpu.memory_space<vmem>> -> memref<8xi32, #tpu.memory_space<vmem>>
      %dma_wait3A_134 = arith.constant 2040 : i32
      %dma_wait3A_135 = tpu.memref_slice %arg3[%dma_wait3A_134] : memref<32768xi32, #tpu.memory_space<hbm>> -> memref<8xi32, #tpu.memory_space<hbm>>
      tpu.wait_dma2 semaphore(%arg8 : memref<!tpu.dma_semaphore, #tpu.memory_space<semaphore_mem>>) src(%dma_wait3A_135 : memref<8xi32, #tpu.memory_space<hbm>>) dst(%dma_wait3A_133 : memref<8xi32, #tpu.memory_space<vmem>>)
      %dma_wait3A_136 = arith.constant 8 : i32
      %dma_wait3A_137 = tpu.memref_slice %arg5[%dma_wait3A_136] : memref<144xi32, #tpu.memory_space<vmem>> -> memref<8xi32, #tpu.memory_space<vmem>>
      %dma_wait3A_138 = arith.constant 4088 : i32
      %dma_wait3A_139 = tpu.memref_slice %arg3[%dma_wait3A_138] : memref<32768xi32, #tpu.memory_space<hbm>> -> memref<8xi32, #tpu.memory_space<hbm>>
      %dma_wait3A_140 = arith.constant 8 : i32
      %dma_wait3A_141 = tpu.memref_slice %arg5[%dma_wait3A_140] : memref<144xi32, #tpu.memory_space<vmem>> -> memref<8xi32, #tpu.memory_space<vmem>>
      %dma_wait3A_142 = arith.constant 4088 : i32
      %dma_wait3A_143 = tpu.memref_slice %arg3[%dma_wait3A_142] : memref<32768xi32, #tpu.memory_space<hbm>> -> memref<8xi32, #tpu.memory_space<hbm>>
      tpu.wait_dma2 semaphore(%arg8 : memref<!tpu.dma_semaphore, #tpu.memory_space<semaphore_mem>>) src(%dma_wait3A_143 : memref<8xi32, #tpu.memory_space<hbm>>) dst(%dma_wait3A_141 : memref<8xi32, #tpu.memory_space<vmem>>)
      %dma_wait3A_144 = arith.constant 16 : i32
      %dma_wait3A_145 = tpu.memref_slice %arg5[%dma_wait3A_144] : memref<144xi32, #tpu.memory_space<vmem>> -> memref<8xi32, #tpu.memory_space<vmem>>
      %dma_wait3A_146 = arith.constant 6136 : i32
      %dma_wait3A_147 = tpu.memref_slice %arg3[%dma_wait3A_146] : memref<32768xi32, #tpu.memory_space<hbm>> -> memref<8xi32, #tpu.memory_space<hbm>>
      %dma_wait3A_148 = arith.constant 16 : i32
      %dma_wait3A_149 = tpu.memref_slice %arg5[%dma_wait3A_148] : memref<144xi32, #tpu.memory_space<vmem>> -> memref<8xi32, #tpu.memory_space<vmem>>
      %dma_wait3A_150 = arith.constant 6136 : i32
      %dma_wait3A_151 = tpu.memref_slice %arg3[%dma_wait3A_150] : memref<32768xi32, #tpu.memory_space<hbm>> -> memref<8xi32, #tpu.memory_space<hbm>>
      tpu.wait_dma2 semaphore(%arg8 : memref<!tpu.dma_semaphore, #tpu.memory_space<semaphore_mem>>) src(%dma_wait3A_151 : memref<8xi32, #tpu.memory_space<hbm>>) dst(%dma_wait3A_149 : memref<8xi32, #tpu.memory_space<vmem>>)
      %dma_wait3A_152 = arith.constant 24 : i32
      %dma_wait3A_153 = tpu.memref_slice %arg5[%dma_wait3A_152] : memref<144xi32, #tpu.memory_space<vmem>> -> memref<8xi32, #tpu.memory_space<vmem>>
      %dma_wait3A_154 = arith.constant 8184 : i32
      %dma_wait3A_155 = tpu.memref_slice %arg3[%dma_wait3A_154] : memref<32768xi32, #tpu.memory_space<hbm>> -> memref<8xi32, #tpu.memory_space<hbm>>
      %dma_wait3A_156 = arith.constant 24 : i32
      %dma_wait3A_157 = tpu.memref_slice %arg5[%dma_wait3A_156] : memref<144xi32, #tpu.memory_space<vmem>> -> memref<8xi32, #tpu.memory_space<vmem>>
      %dma_wait3A_158 = arith.constant 8184 : i32
      %dma_wait3A_159 = tpu.memref_slice %arg3[%dma_wait3A_158] : memref<32768xi32, #tpu.memory_space<hbm>> -> memref<8xi32, #tpu.memory_space<hbm>>
      tpu.wait_dma2 semaphore(%arg8 : memref<!tpu.dma_semaphore, #tpu.memory_space<semaphore_mem>>) src(%dma_wait3A_159 : memref<8xi32, #tpu.memory_space<hbm>>) dst(%dma_wait3A_157 : memref<8xi32, #tpu.memory_space<vmem>>)
      %dma_wait3A_160 = arith.constant 32 : i32
      %dma_wait3A_161 = tpu.memref_slice %arg5[%dma_wait3A_160] : memref<144xi32, #tpu.memory_space<vmem>> -> memref<8xi32, #tpu.memory_space<vmem>>
      %dma_wait3A_162 = arith.constant 10232 : i32
      %dma_wait3A_163 = tpu.memref_slice %arg3[%dma_wait3A_162] : memref<32768xi32, #tpu.memory_space<hbm>> -> memref<8xi32, #tpu.memory_space<hbm>>
      %dma_wait3A_164 = arith.constant 32 : i32
      %dma_wait3A_165 = tpu.memref_slice %arg5[%dma_wait3A_164] : memref<144xi32, #tpu.memory_space<vmem>> -> memref<8xi32, #tpu.memory_space<vmem>>
      %dma_wait3A_166 = arith.constant 10232 : i32
      %dma_wait3A_167 = tpu.memref_slice %arg3[%dma_wait3A_166] : memref<32768xi32, #tpu.memory_space<hbm>> -> memref<8xi32, #tpu.memory_space<hbm>>
      tpu.wait_dma2 semaphore(%arg8 : memref<!tpu.dma_semaphore, #tpu.memory_space<semaphore_mem>>) src(%dma_wait3A_167 : memref<8xi32, #tpu.memory_space<hbm>>) dst(%dma_wait3A_165 : memref<8xi32, #tpu.memory_space<vmem>>)
      %dma_wait3A_168 = arith.constant 40 : i32
      %dma_wait3A_169 = tpu.memref_slice %arg5[%dma_wait3A_168] : memref<144xi32, #tpu.memory_space<vmem>> -> memref<8xi32, #tpu.memory_space<vmem>>
      %dma_wait3A_170 = arith.constant 12280 : i32
      %dma_wait3A_171 = tpu.memref_slice %arg3[%dma_wait3A_170] : memref<32768xi32, #tpu.memory_space<hbm>> -> memref<8xi32, #tpu.memory_space<hbm>>
      %dma_wait3A_172 = arith.constant 40 : i32
      %dma_wait3A_173 = tpu.memref_slice %arg5[%dma_wait3A_172] : memref<144xi32, #tpu.memory_space<vmem>> -> memref<8xi32, #tpu.memory_space<vmem>>
      %dma_wait3A_174 = arith.constant 12280 : i32
      %dma_wait3A_175 = tpu.memref_slice %arg3[%dma_wait3A_174] : memref<32768xi32, #tpu.memory_space<hbm>> -> memref<8xi32, #tpu.memory_space<hbm>>
      tpu.wait_dma2 semaphore(%arg8 : memref<!tpu.dma_semaphore, #tpu.memory_space<semaphore_mem>>) src(%dma_wait3A_175 : memref<8xi32, #tpu.memory_space<hbm>>) dst(%dma_wait3A_173 : memref<8xi32, #tpu.memory_space<vmem>>)
      %dma_wait3A_176 = arith.constant 48 : i32
      %dma_wait3A_177 = tpu.memref_slice %arg5[%dma_wait3A_176] : memref<144xi32, #tpu.memory_space<vmem>> -> memref<8xi32, #tpu.memory_space<vmem>>
      %dma_wait3A_178 = arith.constant 14328 : i32
      %dma_wait3A_179 = tpu.memref_slice %arg3[%dma_wait3A_178] : memref<32768xi32, #tpu.memory_space<hbm>> -> memref<8xi32, #tpu.memory_space<hbm>>
      %dma_wait3A_180 = arith.constant 48 : i32
      %dma_wait3A_181 = tpu.memref_slice %arg5[%dma_wait3A_180] : memref<144xi32, #tpu.memory_space<vmem>> -> memref<8xi32, #tpu.memory_space<vmem>>
      %dma_wait3A_182 = arith.constant 14328 : i32
      %dma_wait3A_183 = tpu.memref_slice %arg3[%dma_wait3A_182] : memref<32768xi32, #tpu.memory_space<hbm>> -> memref<8xi32, #tpu.memory_space<hbm>>
      tpu.wait_dma2 semaphore(%arg8 : memref<!tpu.dma_semaphore, #tpu.memory_space<semaphore_mem>>) src(%dma_wait3A_183 : memref<8xi32, #tpu.memory_space<hbm>>) dst(%dma_wait3A_181 : memref<8xi32, #tpu.memory_space<vmem>>)
      %dma_wait3A_184 = arith.constant 56 : i32
      %dma_wait3A_185 = tpu.memref_slice %arg5[%dma_wait3A_184] : memref<144xi32, #tpu.memory_space<vmem>> -> memref<8xi32, #tpu.memory_space<vmem>>
      %dma_wait3A_186 = arith.constant 16376 : i32
      %dma_wait3A_187 = tpu.memref_slice %arg3[%dma_wait3A_186] : memref<32768xi32, #tpu.memory_space<hbm>> -> memref<8xi32, #tpu.memory_space<hbm>>
      %dma_wait3A_188 = arith.constant 56 : i32
      %dma_wait3A_189 = tpu.memref_slice %arg5[%dma_wait3A_188] : memref<144xi32, #tpu.memory_space<vmem>> -> memref<8xi32, #tpu.memory_space<vmem>>
      %dma_wait3A_190 = arith.constant 16376 : i32
      %dma_wait3A_191 = tpu.memref_slice %arg3[%dma_wait3A_190] : memref<32768xi32, #tpu.memory_space<hbm>> -> memref<8xi32, #tpu.memory_space<hbm>>
      tpu.wait_dma2 semaphore(%arg8 : memref<!tpu.dma_semaphore, #tpu.memory_space<semaphore_mem>>) src(%dma_wait3A_191 : memref<8xi32, #tpu.memory_space<hbm>>) dst(%dma_wait3A_189 : memref<8xi32, #tpu.memory_space<vmem>>)
      %dma_wait3A_192 = arith.constant 64 : i32
      %dma_wait3A_193 = tpu.memref_slice %arg5[%dma_wait3A_192] : memref<144xi32, #tpu.memory_space<vmem>> -> memref<8xi32, #tpu.memory_space<vmem>>
      %dma_wait3A_194 = arith.constant 18424 : i32
      %dma_wait3A_195 = tpu.memref_slice %arg3[%dma_wait3A_194] : memref<32768xi32, #tpu.memory_space<hbm>> -> memref<8xi32, #tpu.memory_space<hbm>>
      %dma_wait3A_196 = arith.constant 64 : i32
      %dma_wait3A_197 = tpu.memref_slice %arg5[%dma_wait3A_196] : memref<144xi32, #tpu.memory_space<vmem>> -> memref<8xi32, #tpu.memory_space<vmem>>
      %dma_wait3A_198 = arith.constant 18424 : i32
      %dma_wait3A_199 = tpu.memref_slice %arg3[%dma_wait3A_198] : memref<32768xi32, #tpu.memory_space<hbm>> -> memref<8xi32, #tpu.memory_space<hbm>>
      tpu.wait_dma2 semaphore(%arg8 : memref<!tpu.dma_semaphore, #tpu.memory_space<semaphore_mem>>) src(%dma_wait3A_199 : memref<8xi32, #tpu.memory_space<hbm>>) dst(%dma_wait3A_197 : memref<8xi32, #tpu.memory_space<vmem>>)
      %dma_wait3A_200 = arith.constant 72 : i32
      %dma_wait3A_201 = tpu.memref_slice %arg5[%dma_wait3A_200] : memref<144xi32, #tpu.memory_space<vmem>> -> memref<8xi32, #tpu.memory_space<vmem>>
      %dma_wait3A_202 = arith.constant 20472 : i32
      %dma_wait3A_203 = tpu.memref_slice %arg3[%dma_wait3A_202] : memref<32768xi32, #tpu.memory_space<hbm>> -> memref<8xi32, #tpu.memory_space<hbm>>
      %dma_wait3A_204 = arith.constant 72 : i32
      %dma_wait3A_205 = tpu.memref_slice %arg5[%dma_wait3A_204] : memref<144xi32, #tpu.memory_space<vmem>> -> memref<8xi32, #tpu.memory_space<vmem>>
      %dma_wait3A_206 = arith.constant 20472 : i32
      %dma_wait3A_207 = tpu.memref_slice %arg3[%dma_wait3A_206] : memref<32768xi32, #tpu.memory_space<hbm>> -> memref<8xi32, #tpu.memory_space<hbm>>
      tpu.wait_dma2 semaphore(%arg8 : memref<!tpu.dma_semaphore, #tpu.memory_space<semaphore_mem>>) src(%dma_wait3A_207 : memref<8xi32, #tpu.memory_space<hbm>>) dst(%dma_wait3A_205 : memref<8xi32, #tpu.memory_space<vmem>>)
      %dma_wait3A_208 = arith.constant 80 : i32
      %dma_wait3A_209 = tpu.memref_slice %arg5[%dma_wait3A_208] : memref<144xi32, #tpu.memory_space<vmem>> -> memref<8xi32, #tpu.memory_space<vmem>>
      %dma_wait3A_210 = arith.constant 22520 : i32
      %dma_wait3A_211 = tpu.memref_slice %arg3[%dma_wait3A_210] : memref<32768xi32, #tpu.memory_space<hbm>> -> memref<8xi32, #tpu.memory_space<hbm>>
      %dma_wait3A_212 = arith.constant 80 : i32
      %dma_wait3A_213 = tpu.memref_slice %arg5[%dma_wait3A_212] : memref<144xi32, #tpu.memory_space<vmem>> -> memref<8xi32, #tpu.memory_space<vmem>>
      %dma_wait3A_214 = arith.constant 22520 : i32
      %dma_wait3A_215 = tpu.memref_slice %arg3[%dma_wait3A_214] : memref<32768xi32, #tpu.memory_space<hbm>> -> memref<8xi32, #tpu.memory_space<hbm>>
      tpu.wait_dma2 semaphore(%arg8 : memref<!tpu.dma_semaphore, #tpu.memory_space<semaphore_mem>>) src(%dma_wait3A_215 : memref<8xi32, #tpu.memory_space<hbm>>) dst(%dma_wait3A_213 : memref<8xi32, #tpu.memory_space<vmem>>)
      %dma_wait3A_216 = arith.constant 88 : i32
      %dma_wait3A_217 = tpu.memref_slice %arg5[%dma_wait3A_216] : memref<144xi32, #tpu.memory_space<vmem>> -> memref<8xi32, #tpu.memory_space<vmem>>
      %dma_wait3A_218 = arith.constant 24568 : i32
      %dma_wait3A_219 = tpu.memref_slice %arg3[%dma_wait3A_218] : memref<32768xi32, #tpu.memory_space<hbm>> -> memref<8xi32, #tpu.memory_space<hbm>>
      %dma_wait3A_220 = arith.constant 88 : i32
      %dma_wait3A_221 = tpu.memref_slice %arg5[%dma_wait3A_220] : memref<144xi32, #tpu.memory_space<vmem>> -> memref<8xi32, #tpu.memory_space<vmem>>
      %dma_wait3A_222 = arith.constant 24568 : i32
      %dma_wait3A_223 = tpu.memref_slice %arg3[%dma_wait3A_222] : memref<32768xi32, #tpu.memory_space<hbm>> -> memref<8xi32, #tpu.memory_space<hbm>>
      tpu.wait_dma2 semaphore(%arg8 : memref<!tpu.dma_semaphore, #tpu.memory_space<semaphore_mem>>) src(%dma_wait3A_223 : memref<8xi32, #tpu.memory_space<hbm>>) dst(%dma_wait3A_221 : memref<8xi32, #tpu.memory_space<vmem>>)
      %dma_wait3A_224 = arith.constant 96 : i32
      %dma_wait3A_225 = tpu.memref_slice %arg5[%dma_wait3A_224] : memref<144xi32, #tpu.memory_space<vmem>> -> memref<8xi32, #tpu.memory_space<vmem>>
      %dma_wait3A_226 = arith.constant 26616 : i32
      %dma_wait3A_227 = tpu.memref_slice %arg3[%dma_wait3A_226] : memref<32768xi32, #tpu.memory_space<hbm>> -> memref<8xi32, #tpu.memory_space<hbm>>
      %dma_wait3A_228 = arith.constant 96 : i32
      %dma_wait3A_229 = tpu.memref_slice %arg5[%dma_wait3A_228] : memref<144xi32, #tpu.memory_space<vmem>> -> memref<8xi32, #tpu.memory_space<vmem>>
      %dma_wait3A_230 = arith.constant 26616 : i32
      %dma_wait3A_231 = tpu.memref_slice %arg3[%dma_wait3A_230] : memref<32768xi32, #tpu.memory_space<hbm>> -> memref<8xi32, #tpu.memory_space<hbm>>
      tpu.wait_dma2 semaphore(%arg8 : memref<!tpu.dma_semaphore, #tpu.memory_space<semaphore_mem>>) src(%dma_wait3A_231 : memref<8xi32, #tpu.memory_space<hbm>>) dst(%dma_wait3A_229 : memref<8xi32, #tpu.memory_space<vmem>>)
      %dma_wait3A_232 = arith.constant 104 : i32
      %dma_wait3A_233 = tpu.memref_slice %arg5[%dma_wait3A_232] : memref<144xi32, #tpu.memory_space<vmem>> -> memref<8xi32, #tpu.memory_space<vmem>>
      %dma_wait3A_234 = arith.constant 28664 : i32
      %dma_wait3A_235 = tpu.memref_slice %arg3[%dma_wait3A_234] : memref<32768xi32, #tpu.memory_space<hbm>> -> memref<8xi32, #tpu.memory_space<hbm>>
      %dma_wait3A_236 = arith.constant 104 : i32
      %dma_wait3A_237 = tpu.memref_slice %arg5[%dma_wait3A_236] : memref<144xi32, #tpu.memory_space<vmem>> -> memref<8xi32, #tpu.memory_space<vmem>>
      %dma_wait3A_238 = arith.constant 28664 : i32
      %dma_wait3A_239 = tpu.memref_slice %arg3[%dma_wait3A_238] : memref<32768xi32, #tpu.memory_space<hbm>> -> memref<8xi32, #tpu.memory_space<hbm>>
      tpu.wait_dma2 semaphore(%arg8 : memref<!tpu.dma_semaphore, #tpu.memory_space<semaphore_mem>>) src(%dma_wait3A_239 : memref<8xi32, #tpu.memory_space<hbm>>) dst(%dma_wait3A_237 : memref<8xi32, #tpu.memory_space<vmem>>)
      %dma_wait3A_240 = arith.constant 112 : i32
      %dma_wait3A_241 = tpu.memref_slice %arg5[%dma_wait3A_240] : memref<144xi32, #tpu.memory_space<vmem>> -> memref<8xi32, #tpu.memory_space<vmem>>
      %dma_wait3A_242 = arith.constant 30712 : i32
      %dma_wait3A_243 = tpu.memref_slice %arg3[%dma_wait3A_242] : memref<32768xi32, #tpu.memory_space<hbm>> -> memref<8xi32, #tpu.memory_space<hbm>>
      %dma_wait3A_244 = arith.constant 112 : i32
      %dma_wait3A_245 = tpu.memref_slice %arg5[%dma_wait3A_244] : memref<144xi32, #tpu.memory_space<vmem>> -> memref<8xi32, #tpu.memory_space<vmem>>
      %dma_wait3A_246 = arith.constant 30712 : i32
      %dma_wait3A_247 = tpu.memref_slice %arg3[%dma_wait3A_246] : memref<32768xi32, #tpu.memory_space<hbm>> -> memref<8xi32, #tpu.memory_space<hbm>>
      tpu.wait_dma2 semaphore(%arg8 : memref<!tpu.dma_semaphore, #tpu.memory_space<semaphore_mem>>) src(%dma_wait3A_247 : memref<8xi32, #tpu.memory_space<hbm>>) dst(%dma_wait3A_245 : memref<8xi32, #tpu.memory_space<vmem>>)
      %dma_wait3A_248 = arith.constant 120 : i32
      %dma_wait3A_249 = tpu.memref_slice %arg5[%dma_wait3A_248] : memref<144xi32, #tpu.memory_space<vmem>> -> memref<8xi32, #tpu.memory_space<vmem>>
      %dma_wait3A_250 = arith.constant 32760 : i32
      %dma_wait3A_251 = tpu.memref_slice %arg3[%dma_wait3A_250] : memref<32768xi32, #tpu.memory_space<hbm>> -> memref<8xi32, #tpu.memory_space<hbm>>
      %dma_wait3A_252 = arith.constant 120 : i32
      %dma_wait3A_253 = tpu.memref_slice %arg5[%dma_wait3A_252] : memref<144xi32, #tpu.memory_space<vmem>> -> memref<8xi32, #tpu.memory_space<vmem>>
      %dma_wait3A_254 = arith.constant 32760 : i32
      %dma_wait3A_255 = tpu.memref_slice %arg3[%dma_wait3A_254] : memref<32768xi32, #tpu.memory_space<hbm>> -> memref<8xi32, #tpu.memory_space<hbm>>
      tpu.wait_dma2 semaphore(%arg8 : memref<!tpu.dma_semaphore, #tpu.memory_space<semaphore_mem>>) src(%dma_wait3A_255 : memref<8xi32, #tpu.memory_space<hbm>>) dst(%dma_wait3A_253 : memref<8xi32, #tpu.memory_space<vmem>>)
      %get3A = arith.constant 0 : index
      %get3A_256 = tpu.vector_load %arg5[%get3A] {strides = array<i32>} : memref<144xi32, #tpu.memory_space<vmem>>, vector<16xi32>,
      %get3A_257 = vector.shape_cast %get3A_256 : vector<16xi32> to vector<16xi32>
      %slice3A = vector.extract_strided_slice %get3A_257 {offsets = [7], sizes = [1], strides = [1]} : vector<16xi32> to vector<1xi32>
      %squeeze3A = vector.extract %slice3A[0] : i32 from vector<1xi32>
      %le3A = arith.cmpi sle, %squeeze3A, %arg1 : i32
      %jit3A = arith.constant 1 : i32
      %jit3A_258 = arith.constant 0 : i32
      %select_n3A = arith.select %le3A, %jit3A, %jit3A_258 : i32
      %add3A = arith.constant 0 : i32
      %add3A_259 = arith.addi %add3A, %select_n3A : i32
      %get3A_260 = arith.constant 8 : index
      %get3A_261 = tpu.vector_load %arg5[%get3A_260] {strides = array<i32>} : memref<144xi32, #tpu.memory_space<vmem>>, vector<16xi32>,
      %get3A_262 = vector.shape_cast %get3A_261 : vector<16xi32> to vector<16xi32>
      %slice3A_263 = vector.extract_strided_slice %get3A_262 {offsets = [7], sizes = [1], strides = [1]} : vector<16xi32> to vector<1xi32>
      %squeeze3A_264 = vector.extract %slice3A_263[0] : i32 from vector<1xi32>
      %le3A_265 = arith.cmpi sle, %squeeze3A_264, %arg1 : i32
      %jit3A_266 = arith.constant 1 : i32
      %jit3A_267 = arith.constant 0 : i32
      %select_n3A_268 = arith.select %le3A_265, %jit3A_266, %jit3A_267 : i32
      %add3A_269 = arith.addi %add3A_259, %select_n3A_268 : i32
      %get3A_270 = arith.constant 16 : index
      %get3A_271 = tpu.vector_load %arg5[%get3A_270] {strides = array<i32>} : memref<144xi32, #tpu.memory_space<vmem>>, vector<16xi32>,
      %get3A_272 = vector.shape_cast %get3A_271 : vector<16xi32> to vector<16xi32>
      %slice3A_273 = vector.extract_strided_slice %get3A_272 {offsets = [7], sizes = [1], strides = [1]} : vector<16xi32> to vector<1xi32>
      %squeeze3A_274 = vector.extract %slice3A_273[0] : i32 from vector<1xi32>
      %le3A_275 = arith.cmpi sle, %squeeze3A_274, %arg1 : i32
      %jit3A_276 = arith.constant 1 : i32
      %jit3A_277 = arith.constant 0 : i32
      %select_n3A_278 = arith.select %le3A_275, %jit3A_276, %jit3A_277 : i32
      %add3A_279 = arith.addi %add3A_269, %select_n3A_278 : i32
      %get3A_280 = arith.constant 24 : index
      %get3A_281 = tpu.vector_load %arg5[%get3A_280] {strides = array<i32>} : memref<144xi32, #tpu.memory_space<vmem>>, vector<16xi32>,
      %get3A_282 = vector.shape_cast %get3A_281 : vector<16xi32> to vector<16xi32>
      %slice3A_283 = vector.extract_strided_slice %get3A_282 {offsets = [7], sizes = [1], strides = [1]} : vector<16xi32> to vector<1xi32>
      %squeeze3A_284 = vector.extract %slice3A_283[0] : i32 from vector<1xi32>
      %le3A_285 = arith.cmpi sle, %squeeze3A_284, %arg1 : i32
      %jit3A_286 = arith.constant 1 : i32
      %jit3A_287 = arith.constant 0 : i32
      %select_n3A_288 = arith.select %le3A_285, %jit3A_286, %jit3A_287 : i32
      %add3A_289 = arith.addi %add3A_279, %select_n3A_288 : i32
      %get3A_290 = arith.constant 32 : index
      %get3A_291 = tpu.vector_load %arg5[%get3A_290] {strides = array<i32>} : memref<144xi32, #tpu.memory_space<vmem>>, vector<16xi32>,
      %get3A_292 = vector.shape_cast %get3A_291 : vector<16xi32> to vector<16xi32>
      %slice3A_293 = vector.extract_strided_slice %get3A_292 {offsets = [7], sizes = [1], strides = [1]} : vector<16xi32> to vector<1xi32>
      %squeeze3A_294 = vector.extract %slice3A_293[0] : i32 from vector<1xi32>
      %le3A_295 = arith.cmpi sle, %squeeze3A_294, %arg1 : i32
      %jit3A_296 = arith.constant 1 : i32
      %jit3A_297 = arith.constant 0 : i32
      %select_n3A_298 = arith.select %le3A_295, %jit3A_296, %jit3A_297 : i32
      %add3A_299 = arith.addi %add3A_289, %select_n3A_298 : i32
      %get3A_300 = arith.constant 40 : index
      %get3A_301 = tpu.vector_load %arg5[%get3A_300] {strides = array<i32>} : memref<144xi32, #tpu.memory_space<vmem>>, vector<16xi32>,
      %get3A_302 = vector.shape_cast %get3A_301 : vector<16xi32> to vector<16xi32>
      %slice3A_303 = vector.extract_strided_slice %get3A_302 {offsets = [7], sizes = [1], strides = [1]} : vector<16xi32> to vector<1xi32>
      %squeeze3A_304 = vector.extract %slice3A_303[0] : i32 from vector<1xi32>
      %le3A_305 = arith.cmpi sle, %squeeze3A_304, %arg1 : i32
      %jit3A_306 = arith.constant 1 : i32
      %jit3A_307 = arith.constant 0 : i32
      %select_n3A_308 = arith.select %le3A_305, %jit3A_306, %jit3A_307 : i32
      %add3A_309 = arith.addi %add3A_299, %select_n3A_308 : i32
      %get3A_310 = arith.constant 48 : index
      %get3A_311 = tpu.vector_load %arg5[%get3A_310] {strides = array<i32>} : memref<144xi32, #tpu.memory_space<vmem>>, vector<16xi32>,
      %get3A_312 = vector.shape_cast %get3A_311 : vector<16xi32> to vector<16xi32>
      %slice3A_313 = vector.extract_strided_slice %get3A_312 {offsets = [7], sizes = [1], strides = [1]} : vector<16xi32> to vector<1xi32>
      %squeeze3A_314 = vector.extract %slice3A_313[0] : i32 from vector<1xi32>
      %le3A_315 = arith.cmpi sle, %squeeze3A_314, %arg1 : i32
      %jit3A_316 = arith.constant 1 : i32
      %jit3A_317 = arith.constant 0 : i32
      %select_n3A_318 = arith.select %le3A_315, %jit3A_316, %jit3A_317 : i32
      %add3A_319 = arith.addi %add3A_309, %select_n3A_318 : i32
      %get3A_320 = arith.constant 56 : index
      %get3A_321 = tpu.vector_load %arg5[%get3A_320] {strides = array<i32>} : memref<144xi32, #tpu.memory_space<vmem>>, vector<16xi32>,
      %get3A_322 = vector.shape_cast %get3A_321 : vector<16xi32> to vector<16xi32>
      %slice3A_323 = vector.extract_strided_slice %get3A_322 {offsets = [7], sizes = [1], strides = [1]} : vector<16xi32> to vector<1xi32>
      %squeeze3A_324 = vector.extract %slice3A_323[0] : i32 from vector<1xi32>
      %le3A_325 = arith.cmpi sle, %squeeze3A_324, %arg1 : i32
      %jit3A_326 = arith.constant 1 : i32
      %jit3A_327 = arith.constant 0 : i32
      %select_n3A_328 = arith.select %le3A_325, %jit3A_326, %jit3A_327 : i32
      %add3A_329 = arith.addi %add3A_319, %select_n3A_328 : i32
      %get3A_330 = arith.constant 64 : index
      %get3A_331 = tpu.vector_load %arg5[%get3A_330] {strides = array<i32>} : memref<144xi32, #tpu.memory_space<vmem>>, vector<16xi32>,
      %get3A_332 = vector.shape_cast %get3A_331 : vector<16xi32> to vector<16xi32>
      %slice3A_333 = vector.extract_strided_slice %get3A_332 {offsets = [7], sizes = [1], strides = [1]} : vector<16xi32> to vector<1xi32>
      %squeeze3A_334 = vector.extract %slice3A_333[0] : i32 from vector<1xi32>
      %le3A_335 = arith.cmpi sle, %squeeze3A_334, %arg1 : i32
      %jit3A_336 = arith.constant 1 : i32
      %jit3A_337 = arith.constant 0 : i32
      %select_n3A_338 = arith.select %le3A_335, %jit3A_336, %jit3A_337 : i32
      %add3A_339 = arith.addi %add3A_329, %select_n3A_338 : i32
      %get3A_340 = arith.constant 72 : index
      %get3A_341 = tpu.vector_load %arg5[%get3A_340] {strides = array<i32>} : memref<144xi32, #tpu.memory_space<vmem>>, vector<16xi32>,
      %get3A_342 = vector.shape_cast %get3A_341 : vector<16xi32> to vector<16xi32>
      %slice3A_343 = vector.extract_strided_slice %get3A_342 {offsets = [7], sizes = [1], strides = [1]} : vector<16xi32> to vector<1xi32>
      %squeeze3A_344 = vector.extract %slice3A_343[0] : i32 from vector<1xi32>
      %le3A_345 = arith.cmpi sle, %squeeze3A_344, %arg1 : i32
      %jit3A_346 = arith.constant 1 : i32
      %jit3A_347 = arith.constant 0 : i32
      %select_n3A_348 = arith.select %le3A_345, %jit3A_346, %jit3A_347 : i32
      %add3A_349 = arith.addi %add3A_339, %select_n3A_348 : i32
      %get3A_350 = arith.constant 80 : index
      %get3A_351 = tpu.vector_load %arg5[%get3A_350] {strides = array<i32>} : memref<144xi32, #tpu.memory_space<vmem>>, vector<16xi32>,
      %get3A_352 = vector.shape_cast %get3A_351 : vector<16xi32> to vector<16xi32>
      %slice3A_353 = vector.extract_strided_slice %get3A_352 {offsets = [7], sizes = [1], strides = [1]} : vector<16xi32> to vector<1xi32>
      %squeeze3A_354 = vector.extract %slice3A_353[0] : i32 from vector<1xi32>
      %le3A_355 = arith.cmpi sle, %squeeze3A_354, %arg1 : i32
      %jit3A_356 = arith.constant 1 : i32
      %jit3A_357 = arith.constant 0 : i32
      %select_n3A_358 = arith.select %le3A_355, %jit3A_356, %jit3A_357 : i32
      %add3A_359 = arith.addi %add3A_349, %select_n3A_358 : i32
      %get3A_360 = arith.constant 88 : index
      %get3A_361 = tpu.vector_load %arg5[%get3A_360] {strides = array<i32>} : memref<144xi32, #tpu.memory_space<vmem>>, vector<16xi32>,
      %get3A_362 = vector.shape_cast %get3A_361 : vector<16xi32> to vector<16xi32>
      %slice3A_363 = vector.extract_strided_slice %get3A_362 {offsets = [7], sizes = [1], strides = [1]} : vector<16xi32> to vector<1xi32>
      %squeeze3A_364 = vector.extract %slice3A_363[0] : i32 from vector<1xi32>
      %le3A_365 = arith.cmpi sle, %squeeze3A_364, %arg1 : i32
      %jit3A_366 = arith.constant 1 : i32
      %jit3A_367 = arith.constant 0 : i32
      %select_n3A_368 = arith.select %le3A_365, %jit3A_366, %jit3A_367 : i32
      %add3A_369 = arith.addi %add3A_359, %select_n3A_368 : i32
      %get3A_370 = arith.constant 96 : index
      %get3A_371 = tpu.vector_load %arg5[%get3A_370] {strides = array<i32>} : memref<144xi32, #tpu.memory_space<vmem>>, vector<16xi32>,
      %get3A_372 = vector.shape_cast %get3A_371 : vector<16xi32> to vector<16xi32>
      %slice3A_373 = vector.extract_strided_slice %get3A_372 {offsets = [7], sizes = [1], strides = [1]} : vector<16xi32> to vector<1xi32>
      %squeeze3A_374 = vector.extract %slice3A_373[0] : i32 from vector<1xi32>
      %le3A_375 = arith.cmpi sle, %squeeze3A_374, %arg1 : i32
      %jit3A_376 = arith.constant 1 : i32
      %jit3A_377 = arith.constant 0 : i32
      %select_n3A_378 = arith.select %le3A_375, %jit3A_376, %jit3A_377 : i32
      %add3A_379 = arith.addi %add3A_369, %select_n3A_378 : i32
      %get3A_380 = arith.constant 104 : index
      %get3A_381 = tpu.vector_load %arg5[%get3A_380] {strides = array<i32>} : memref<144xi32, #tpu.memory_space<vmem>>, vector<16xi32>,
      %get3A_382 = vector.shape_cast %get3A_381 : vector<16xi32> to vector<16xi32>
      %slice3A_383 = vector.extract_strided_slice %get3A_382 {offsets = [7], sizes = [1], strides = [1]} : vector<16xi32> to vector<1xi32>
      %squeeze3A_384 = vector.extract %slice3A_383[0] : i32 from vector<1xi32>
      %le3A_385 = arith.cmpi sle, %squeeze3A_384, %arg1 : i32
      %jit3A_386 = arith.constant 1 : i32
      %jit3A_387 = arith.constant 0 : i32
      %select_n3A_388 = arith.select %le3A_385, %jit3A_386, %jit3A_387 : i32
      %add3A_389 = arith.addi %add3A_379, %select_n3A_388 : i32
      %get3A_390 = arith.constant 112 : index
      %get3A_391 = tpu.vector_load %arg5[%get3A_390] {strides = array<i32>} : memref<144xi32, #tpu.memory_space<vmem>>, vector<16xi32>,
      %get3A_392 = vector.shape_cast %get3A_391 : vector<16xi32> to vector<16xi32>
      %slice3A_393 = vector.extract_strided_slice %get3A_392 {offsets = [7], sizes = [1], strides = [1]} : vector<16xi32> to vector<1xi32>
      %squeeze3A_394 = vector.extract %slice3A_393[0] : i32 from vector<1xi32>
      %le3A_395 = arith.cmpi sle, %squeeze3A_394, %arg1 : i32
      %jit3A_396 = arith.constant 1 : i32
      %jit3A_397 = arith.constant 0 : i32
      %select_n3A_398 = arith.select %le3A_395, %jit3A_396, %jit3A_397 : i32
      %add3A_399 = arith.addi %add3A_389, %select_n3A_398 : i32
      %get3A_400 = arith.constant 120 : index
      %get3A_401 = tpu.vector_load %arg5[%get3A_400] {strides = array<i32>} : memref<144xi32, #tpu.memory_space<vmem>>, vector<16xi32>,
      %get3A_402 = vector.shape_cast %get3A_401 : vector<16xi32> to vector<16xi32>
      %slice3A_403 = vector.extract_strided_slice %get3A_402 {offsets = [7], sizes = [1], strides = [1]} : vector<16xi32> to vector<1xi32>
      %squeeze3A_404 = vector.extract %slice3A_403[0] : i32 from vector<1xi32>
      %le3A_405 = arith.cmpi sle, %squeeze3A_404, %arg1 : i32
      %jit3A_406 = arith.constant 1 : i32
      %jit3A_407 = arith.constant 0 : i32
      %select_n3A_408 = arith.select %le3A_405, %jit3A_406, %jit3A_407 : i32
      %add3A_409 = arith.addi %add3A_399, %select_n3A_408 : i32
      %min3A = arith.constant 15 : i32
      %min3A_410 = arith.minsi %add3A_409, %min3A : i32
      %mul3A = arith.constant 2048 : i32
      %mul3A_411 = arith.muli %min3A_410, %mul3A : i32
      "tpu.region"() ({
        %run_scoped3A = tpu.sem_alloc : memref<!tpu.dma_semaphore, #tpu.memory_space<semaphore_mem>>
        %dma_start3A_541 = arith.constant 0 : i32
        %dma_start3A_542 = tpu.memref_slice %arg6[%dma_start3A_541] : memref<2064xi32, #tpu.memory_space<vmem>> -> memref<2048xi32, #tpu.memory_space<vmem>>
        %dma_start3A_543 = tpu.memref_slice %arg3[%mul3A_411] : memref<32768xi32, #tpu.memory_space<hbm>> -> memref<2048xi32, #tpu.memory_space<hbm>>
        %dma_start3A_544 = arith.constant 0 : i32
        %dma_start3A_545 = tpu.memref_slice %arg6[%dma_start3A_544] : memref<2064xi32, #tpu.memory_space<vmem>> -> memref<2048xi32, #tpu.memory_space<vmem>>
        %dma_start3A_546 = tpu.memref_slice %arg3[%mul3A_411] : memref<32768xi32, #tpu.memory_space<hbm>> -> memref<2048xi32, #tpu.memory_space<hbm>>
        tpu.enqueue_dma source(%dma_start3A_546 : memref<2048xi32, #tpu.memory_space<hbm>>) target(%dma_start3A_545 : memref<2048xi32, #tpu.memory_space<vmem>>) target_semaphore(%run_scoped3A : memref<!tpu.dma_semaphore, #tpu.memory_space<semaphore_mem>>)
        %dma_wait3A_547 = arith.constant 0 : i32
        %dma_wait3A_548 = tpu.memref_slice %arg6[%dma_wait3A_547] : memref<2064xi32, #tpu.memory_space<vmem>> -> memref<2048xi32, #tpu.memory_space<vmem>>
        %dma_wait3A_549 = tpu.memref_slice %arg3[%mul3A_411] : memref<32768xi32, #tpu.memory_space<hbm>> -> memref<2048xi32, #tpu.memory_space<hbm>>
        %dma_wait3A_550 = arith.constant 0 : i32
        %dma_wait3A_551 = tpu.memref_slice %arg6[%dma_wait3A_550] : memref<2064xi32, #tpu.memory_space<vmem>> -> memref<2048xi32, #tpu.memory_space<vmem>>
        %dma_wait3A_552 = tpu.memref_slice %arg3[%mul3A_411] : memref<32768xi32, #tpu.memory_space<hbm>> -> memref<2048xi32, #tpu.memory_space<hbm>>
        tpu.wait_dma2 semaphore(%run_scoped3A : memref<!tpu.dma_semaphore, #tpu.memory_space<semaphore_mem>>) src(%dma_wait3A_552 : memref<2048xi32, #tpu.memory_space<hbm>>) dst(%dma_wait3A_551 : memref<2048xi32, #tpu.memory_space<vmem>>)
        tpu.yield
      }) : () -> ()
      %add3A_412 = arith.constant 0 : i32
      %add3A_413 = arith.constant 1024 : i32
      %add3A_414 = arith.addi %add3A_412, %add3A_413 : i32
      %sub3A = arith.constant 1 : i32
      %sub3A_415 = arith.subi %add3A_414, %sub3A : i32
      %get3A_416 = arith.index_cast %sub3A_415 : i32 to index
      %get3A_417 = tpu.vector_load %arg6[%get3A_416] {strides = array<i32>} : memref<2064xi32, #tpu.memory_space<vmem>>, vector<16xi32>,
      %get3A_418 = vector.shape_cast %get3A_417 : vector<16xi32> to vector<16xi32>
      %slice3A_419 = vector.extract_strided_slice %get3A_418 {offsets = [0], sizes = [1], strides = [1]} : vector<16xi32> to vector<1xi32>
      %squeeze3A_420 = vector.extract %slice3A_419[0] : i32 from vector<1xi32>
      %le3A_421 = arith.cmpi sle, %squeeze3A_420, %arg1 : i32
      %jit3A_422 = arith.constant 0 : i32
      %select_n3A_423 = arith.select %le3A_421, %add3A_414, %jit3A_422 : i32
      %add3A_424 = arith.constant 512 : i32
      %add3A_425 = arith.addi %select_n3A_423, %add3A_424 : i32
      %sub3A_426 = arith.constant 1 : i32
      %sub3A_427 = arith.subi %add3A_425, %sub3A_426 : i32
      %get3A_428 = arith.index_cast %sub3A_427 : i32 to index
      %get3A_429 = tpu.vector_load %arg6[%get3A_428] {strides = array<i32>} : memref<2064xi32, #tpu.memory_space<vmem>>, vector<16xi32>,
      %get3A_430 = vector.shape_cast %get3A_429 : vector<16xi32> to vector<16xi32>
      %slice3A_431 = vector.extract_strided_slice %get3A_430 {offsets = [0], sizes = [1], strides = [1]} : vector<16xi32> to vector<1xi32>
      %squeeze3A_432 = vector.extract %slice3A_431[0] : i32 from vector<1xi32>
      %le3A_433 = arith.cmpi sle, %squeeze3A_432, %arg1 : i32
      %select_n3A_434 = arith.select %le3A_433, %add3A_425, %select_n3A_423 : i32
      %add3A_435 = arith.constant 256 : i32
      %add3A_436 = arith.addi %select_n3A_434, %add3A_435 : i32
      %sub3A_437 = arith.constant 1 : i32
      %sub3A_438 = arith.subi %add3A_436, %sub3A_437 : i32
      %get3A_439 = arith.index_cast %sub3A_438 : i32 to index
      %get3A_440 = tpu.vector_load %arg6[%get3A_439] {strides = array<i32>} : memref<2064xi32, #tpu.memory_space<vmem>>, vector<16xi32>,
      %get3A_441 = vector.shape_cast %get3A_440 : vector<16xi32> to vector<16xi32>
      %slice3A_442 = vector.extract_strided_slice %get3A_441 {offsets = [0], sizes = [1], strides = [1]} : vector<16xi32> to vector<1xi32>
      %squeeze3A_443 = vector.extract %slice3A_442[0] : i32 from vector<1xi32>
      %le3A_444 = arith.cmpi sle, %squeeze3A_443, %arg1 : i32
      %select_n3A_445 = arith.select %le3A_444, %add3A_436, %select_n3A_434 : i32
      %add3A_446 = arith.constant 128 : i32
      %add3A_447 = arith.addi %select_n3A_445, %add3A_446 : i32
      %sub3A_448 = arith.constant 1 : i32
      %sub3A_449 = arith.subi %add3A_447, %sub3A_448 : i32
      %get3A_450 = arith.index_cast %sub3A_449 : i32 to index
      %get3A_451 = tpu.vector_load %arg6[%get3A_450] {strides = array<i32>} : memref<2064xi32, #tpu.memory_space<vmem>>, vector<16xi32>,
      %get3A_452 = vector.shape_cast %get3A_451 : vector<16xi32> to vector<16xi32>
      %slice3A_453 = vector.extract_strided_slice %get3A_452 {offsets = [0], sizes = [1], strides = [1]} : vector<16xi32> to vector<1xi32>
      %squeeze3A_454 = vector.extract %slice3A_453[0] : i32 from vector<1xi32>
      %le3A_455 = arith.cmpi sle, %squeeze3A_454, %arg1 : i32
      %select_n3A_456 = arith.select %le3A_455, %add3A_447, %select_n3A_445 : i32
      %add3A_457 = arith.constant 64 : i32
      %add3A_458 = arith.addi %select_n3A_456, %add3A_457 : i32
      %sub3A_459 = arith.constant 1 : i32
      %sub3A_460 = arith.subi %add3A_458, %sub3A_459 : i32
      %get3A_461 = arith.index_cast %sub3A_460 : i32 to index
      %get3A_462 = tpu.vector_load %arg6[%get3A_461] {strides = array<i32>} : memref<2064xi32, #tpu.memory_space<vmem>>, vector<16xi32>,
      %get3A_463 = vector.shape_cast %get3A_462 : vector<16xi32> to vector<16xi32>
      %slice3A_464 = vector.extract_strided_slice %get3A_463 {offsets = [0], sizes = [1], strides = [1]} : vector<16xi32> to vector<1xi32>
      %squeeze3A_465 = vector.extract %slice3A_464[0] : i32 from vector<1xi32>
      %le3A_466 = arith.cmpi sle, %squeeze3A_465, %arg1 : i32
      %select_n3A_467 = arith.select %le3A_466, %add3A_458, %select_n3A_456 : i32
      %add3A_468 = arith.constant 32 : i32
      %add3A_469 = arith.addi %select_n3A_467, %add3A_468 : i32
      %sub3A_470 = arith.constant 1 : i32
      %sub3A_471 = arith.subi %add3A_469, %sub3A_470 : i32
      %get3A_472 = arith.index_cast %sub3A_471 : i32 to index
      %get3A_473 = tpu.vector_load %arg6[%get3A_472] {strides = array<i32>} : memref<2064xi32, #tpu.memory_space<vmem>>, vector<16xi32>,
      %get3A_474 = vector.shape_cast %get3A_473 : vector<16xi32> to vector<16xi32>
      %slice3A_475 = vector.extract_strided_slice %get3A_474 {offsets = [0], sizes = [1], strides = [1]} : vector<16xi32> to vector<1xi32>
      %squeeze3A_476 = vector.extract %slice3A_475[0] : i32 from vector<1xi32>
      %le3A_477 = arith.cmpi sle, %squeeze3A_476, %arg1 : i32
      %select_n3A_478 = arith.select %le3A_477, %add3A_469, %select_n3A_467 : i32
      %add3A_479 = arith.constant 16 : i32
      %add3A_480 = arith.addi %select_n3A_478, %add3A_479 : i32
      %sub3A_481 = arith.constant 1 : i32
      %sub3A_482 = arith.subi %add3A_480, %sub3A_481 : i32
      %get3A_483 = arith.index_cast %sub3A_482 : i32 to index
      %get3A_484 = tpu.vector_load %arg6[%get3A_483] {strides = array<i32>} : memref<2064xi32, #tpu.memory_space<vmem>>, vector<16xi32>,
      %get3A_485 = vector.shape_cast %get3A_484 : vector<16xi32> to vector<16xi32>
      %slice3A_486 = vector.extract_strided_slice %get3A_485 {offsets = [0], sizes = [1], strides = [1]} : vector<16xi32> to vector<1xi32>
      %squeeze3A_487 = vector.extract %slice3A_486[0] : i32 from vector<1xi32>
      %le3A_488 = arith.cmpi sle, %squeeze3A_487, %arg1 : i32
      %select_n3A_489 = arith.select %le3A_488, %add3A_480, %select_n3A_478 : i32
      %add3A_490 = arith.constant 8 : i32
      %add3A_491 = arith.addi %select_n3A_489, %add3A_490 : i32
      %sub3A_492 = arith.constant 1 : i32
      %sub3A_493 = arith.subi %add3A_491, %sub3A_492 : i32
      %get3A_494 = arith.index_cast %sub3A_493 : i32 to index
      %get3A_495 = tpu.vector_load %arg6[%get3A_494] {strides = array<i32>} : memref<2064xi32, #tpu.memory_space<vmem>>, vector<16xi32>,
      %get3A_496 = vector.shape_cast %get3A_495 : vector<16xi32> to vector<16xi32>
      %slice3A_497 = vector.extract_strided_slice %get3A_496 {offsets = [0], sizes = [1], strides = [1]} : vector<16xi32> to vector<1xi32>
      %squeeze3A_498 = vector.extract %slice3A_497[0] : i32 from vector<1xi32>
      %le3A_499 = arith.cmpi sle, %squeeze3A_498, %arg1 : i32
      %select_n3A_500 = arith.select %le3A_499, %add3A_491, %select_n3A_489 : i32
      %add3A_501 = arith.constant 4 : i32
      %add3A_502 = arith.addi %select_n3A_500, %add3A_501 : i32
      %sub3A_503 = arith.constant 1 : i32
      %sub3A_504 = arith.subi %add3A_502, %sub3A_503 : i32
      %get3A_505 = arith.index_cast %sub3A_504 : i32 to index
      %get3A_506 = tpu.vector_load %arg6[%get3A_505] {strides = array<i32>} : memref<2064xi32, #tpu.memory_space<vmem>>, vector<16xi32>,
      %get3A_507 = vector.shape_cast %get3A_506 : vector<16xi32> to vector<16xi32>
      %slice3A_508 = vector.extract_strided_slice %get3A_507 {offsets = [0], sizes = [1], strides = [1]} : vector<16xi32> to vector<1xi32>
      %squeeze3A_509 = vector.extract %slice3A_508[0] : i32 from vector<1xi32>
      %le3A_510 = arith.cmpi sle, %squeeze3A_509, %arg1 : i32
      %select_n3A_511 = arith.select %le3A_510, %add3A_502, %select_n3A_500 : i32
      %add3A_512 = arith.constant 2 : i32
      %add3A_513 = arith.addi %select_n3A_511, %add3A_512 : i32
      %sub3A_514 = arith.constant 1 : i32
      %sub3A_515 = arith.subi %add3A_513, %sub3A_514 : i32
      %get3A_516 = arith.index_cast %sub3A_515 : i32 to index
      %get3A_517 = tpu.vector_load %arg6[%get3A_516] {strides = array<i32>} : memref<2064xi32, #tpu.memory_space<vmem>>, vector<16xi32>,
      %get3A_518 = vector.shape_cast %get3A_517 : vector<16xi32> to vector<16xi32>
      %slice3A_519 = vector.extract_strided_slice %get3A_518 {offsets = [0], sizes = [1], strides = [1]} : vector<16xi32> to vector<1xi32>
      %squeeze3A_520 = vector.extract %slice3A_519[0] : i32 from vector<1xi32>
      %le3A_521 = arith.cmpi sle, %squeeze3A_520, %arg1 : i32
      %select_n3A_522 = arith.select %le3A_521, %add3A_513, %select_n3A_511 : i32
      %add3A_523 = arith.constant 1 : i32
      %add3A_524 = arith.addi %select_n3A_522, %add3A_523 : i32
      %sub3A_525 = arith.constant 1 : i32
      %sub3A_526 = arith.subi %add3A_524, %sub3A_525 : i32
      %get3A_527 = arith.index_cast %sub3A_526 : i32 to index
      %get3A_528 = tpu.vector_load %arg6[%get3A_527] {strides = array<i32>} : memref<2064xi32, #tpu.memory_space<vmem>>, vector<16xi32>,
      %get3A_529 = vector.shape_cast %get3A_528 : vector<16xi32> to vector<16xi32>
      %slice3A_530 = vector.extract_strided_slice %get3A_529 {offsets = [0], sizes = [1], strides = [1]} : vector<16xi32> to vector<1xi32>
      %squeeze3A_531 = vector.extract %slice3A_530[0] : i32 from vector<1xi32>
      %le3A_532 = arith.cmpi sle, %squeeze3A_531, %arg1 : i32
      %select_n3A_533 = arith.select %le3A_532, %add3A_524, %select_n3A_522 : i32
      %eq3A_534 = arith.constant 15 : i32
      %eq3A_535 = arith.cmpi eq, %arg1, %eq3A_534 : i32
      %add3A_536 = arith.addi %mul3A_411, %select_n3A_533 : i32
      %sub3A_537 = arith.constant 1 : i32
      %sub3A_538 = arith.subi %add3A_536, %sub3A_537 : i32
      %jit3A_539 = arith.constant 32767 : i32
      %select_n3A_540 = arith.select %eq3A_535, %jit3A_539, %sub3A_538 : i32
      "tpu.region"() ({
        %run_scoped3A = tpu.sem_alloc : memref<!tpu.dma_semaphore, #tpu.memory_space<semaphore_mem>>
        %dma_start3A_541 = arith.constant 0 : i32
        %dma_start3A_542 = tpu.memref_slice %arg2[%select_n3A_540, %dma_start3A_541] : memref<32768x256xf32, #tpu.memory_space<hbm>> -> memref<1x256xf32, #tpu.memory_space<hbm>>
        %dma_start3A_543 = arith.constant 0 : i32
        %dma_start3A_544 = tpu.memref_slice %arg2[%select_n3A_540, %dma_start3A_543] : memref<32768x256xf32, #tpu.memory_space<hbm>> -> memref<1x256xf32, #tpu.memory_space<hbm>>
        tpu.enqueue_dma source(%dma_start3A_544 : memref<1x256xf32, #tpu.memory_space<hbm>>) target(%arg7 : memref<1x256xf32, #tpu.memory_space<vmem>>) target_semaphore(%run_scoped3A : memref<!tpu.dma_semaphore, #tpu.memory_space<semaphore_mem>>)
        %dma_wait3A_545 = arith.constant 0 : i32
        %dma_wait3A_546 = tpu.memref_slice %arg2[%select_n3A_540, %dma_wait3A_545] : memref<32768x256xf32, #tpu.memory_space<hbm>> -> memref<1x256xf32, #tpu.memory_space<hbm>>
        %dma_wait3A_547 = arith.constant 0 : i32
        %dma_wait3A_548 = tpu.memref_slice %arg2[%select_n3A_540, %dma_wait3A_547] : memref<32768x256xf32, #tpu.memory_space<hbm>> -> memref<1x256xf32, #tpu.memory_space<hbm>>
        tpu.wait_dma2 semaphore(%run_scoped3A : memref<!tpu.dma_semaphore, #tpu.memory_space<semaphore_mem>>) src(%dma_wait3A_548 : memref<1x256xf32, #tpu.memory_space<hbm>>) dst(%arg7 : memref<1x256xf32, #tpu.memory_space<vmem>>)
        tpu.yield
      }) : () -> ()
      "tpu.region"() ({
        %run_scoped3A = tpu.sem_alloc : memref<!tpu.dma_semaphore, #tpu.memory_space<semaphore_mem>>
        %dma_start3A_541 = arith.constant 0 : i32
        %dma_start3A_542 = tpu.memref_slice %arg4[%arg1, %dma_start3A_541] : memref<16x256xf32, #tpu.memory_space<hbm>> -> memref<1x256xf32, #tpu.memory_space<hbm>>
        %dma_start3A_543 = arith.constant 0 : i32
        %dma_start3A_544 = tpu.memref_slice %arg4[%arg1, %dma_start3A_543] : memref<16x256xf32, #tpu.memory_space<hbm>> -> memref<1x256xf32, #tpu.memory_space<hbm>>
        tpu.enqueue_dma source(%arg7 : memref<1x256xf32, #tpu.memory_space<vmem>>) target(%dma_start3A_544 : memref<1x256xf32, #tpu.memory_space<hbm>>) target_semaphore(%run_scoped3A : memref<!tpu.dma_semaphore, #tpu.memory_space<semaphore_mem>>)
        %dma_wait3A_545 = arith.constant 0 : i32
        %dma_wait3A_546 = tpu.memref_slice %arg4[%arg1, %dma_wait3A_545] : memref<16x256xf32, #tpu.memory_space<hbm>> -> memref<1x256xf32, #tpu.memory_space<hbm>>
        %dma_wait3A_547 = arith.constant 0 : i32
        %dma_wait3A_548 = tpu.memref_slice %arg4[%arg1, %dma_wait3A_547] : memref<16x256xf32, #tpu.memory_space<hbm>> -> memref<1x256xf32, #tpu.memory_space<hbm>>
        tpu.wait_dma2 semaphore(%run_scoped3A : memref<!tpu.dma_semaphore, #tpu.memory_space<semaphore_mem>>) src(%arg7 : memref<1x256xf32, #tpu.memory_space<vmem>>) dst(%dma_wait3A_548 : memref<1x256xf32, #tpu.memory_space<hbm>>)
        tpu.yield
      }) : () -> ()
    } else {
    }
    return
  }
}

module attributes {stable_mosaic.version = 14 : i64} {
  func.func @_fused_kernel(%arg0: i32, %arg1: memref<4096x256xf32, #tpu.memory_space<vmem>>, %arg2: memref<1x1x4096xi32, #tpu.memory_space<vmem>>, %arg3: memref<1x1x4096xf32, #tpu.memory_space<vmem>>, %arg4: memref<256x256xf32, #tpu.memory_space<vmem>>, %arg5: memref<256x256xf32, #tpu.memory_space<vmem>>, %arg6: memref<1x256xf32, #tpu.memory_space<vmem>>, %arg7: memref<1x256xf32, #tpu.memory_space<vmem>>, %arg8: memref<1x256xf32, #tpu.memory_space<vmem>>, %arg9: memref<1x1xf32, #tpu.memory_space<vmem>>, %arg10: memref<256x512xf32, #tpu.memory_space<vmem>>, %arg11: memref<1x256xf32, #tpu.memory_space<vmem>>, %arg12: memref<16x256xf32, #tpu.memory_space<vmem>>, %arg13: memref<16x256xf32, #tpu.memory_space<vmem>>, %arg14: memref<16x256xf32, #tpu.memory_space<vmem>>, %arg15: memref<16x256xf32, #tpu.memory_space<vmem>>, %arg16: memref<256x256xbf16, #tpu.memory_space<vmem>>) attributes {dimension_semantics = [#tpu.dimension_semantics<arbitrary>], iteration_bounds = array<i64: 8>, scalar_prefetch = 0 : i64, scratch_operands = 3 : i64, tpu.core_type = #tpu.core_type<tc>, window_params = [{transform_indices = @transform_0, window_bounds = array<i64: 4096, 256>}, {transform_indices = @transform_1, window_bounds = array<i64: 1, 1, 4096>}, {transform_indices = @transform_2, window_bounds = array<i64: 1, 1, 4096>}, {pipeline_mode = #tpu.pipeline_mode<synchronous>, transform_indices = @transform_3, window_bounds = array<i64: 256, 256>}, {pipeline_mode = #tpu.pipeline_mode<synchronous>, transform_indices = @transform_4, window_bounds = array<i64: 256, 256>}, {pipeline_mode = #tpu.pipeline_mode<synchronous>, transform_indices = @transform_5, window_bounds = array<i64: 1, 256>}, {pipeline_mode = #tpu.pipeline_mode<synchronous>, transform_indices = @transform_6, window_bounds = array<i64: 1, 256>}, {pipeline_mode = #tpu.pipeline_mode<synchronous>, transform_indices = @transform_7, window_bounds = array<i64: 1, 256>}, {pipeline_mode = #tpu.pipeline_mode<synchronous>, transform_indices = @transform_8, window_bounds = array<i64: 1, 1>}, {pipeline_mode = #tpu.pipeline_mode<synchronous>, transform_indices = @transform_9, window_bounds = array<i64: 256, 512>}, {pipeline_mode = #tpu.pipeline_mode<synchronous>, transform_indices = @transform_10, window_bounds = array<i64: 1, 256>}, {pipeline_mode = #tpu.pipeline_mode<synchronous>, transform_indices = @transform_11, window_bounds = array<i64: 16, 256>}, {pipeline_mode = #tpu.pipeline_mode<synchronous>, transform_indices = @transform_12, window_bounds = array<i64: 16, 256>}]} {
    %eq3A = arith.constant 0 : i32
    %eq3A_0 = arith.cmpi eq, %arg0, %eq3A : i32
    %convert_element_type3A = arith.extui %eq3A_0 : i1 to i32
    %cond3A = arith.constant 0 : i32
    %cond3A_1 = arith.cmpi ne, %convert_element_type3A, %cond3A : i32
    scf.if %cond3A_1 {
      %broadcast_in_dim3A = arith.constant 0.000000e+00 : f32
      %broadcast_in_dim3A_62 = vector.broadcast %broadcast_in_dim3A : f32 to vector<16x256xf32>
      %swap3A_63 = arith.constant 0 : index
      %swap3A_64 = arith.constant 0 : index
      %swap3A_65 = vector.load %arg15[%swap3A_63, %swap3A_64] : memref<16x256xf32, #tpu.memory_space<vmem>>, vector<16x256xf32>
      tpu.vector_store %arg15[%swap3A_63, %swap3A_64], %broadcast_in_dim3A_62 {strides = array<i32>} : memref<16x256xf32, #tpu.memory_space<vmem>>, vector<16x256xf32>,
      %get3A_66 = arith.constant 0 : index
      %get3A_67 = arith.constant 0 : index
      %get3A_68 = vector.load %arg12[%get3A_66, %get3A_67] : memref<16x256xf32, #tpu.memory_space<vmem>>, vector<16x256xf32>
      %get3A_69 = arith.constant 0 : index
      %get3A_70 = arith.constant 0 : index
      %get3A_71 = vector.load %arg4[%get3A_69, %get3A_70] : memref<256x256xf32, #tpu.memory_space<vmem>>, vector<256x256xf32>
      %dot_general3A_72 = arith.constant dense<0.000000e+00> : vector<16x256xf32>
      %dot_general3A_73 = tpu.matmul %get3A_68, %get3A_71, %dot_general3A_72 {dimension_numbers = #tpu.dot_dimension_numbers<[1], [1], [0], [0], [0, 0, 1, 0], [], []>, transpose_lhs_hint = false} : vector<16x256xf32>, vector<256x256xf32>, vector<16x256xf32> -> vector<16x256xf32>
      %get3A_74 = arith.constant 0 : index
      %get3A_75 = arith.constant 0 : index
      %get3A_76 = vector.load %arg6[%get3A_74, %get3A_75] : memref<1x256xf32, #tpu.memory_space<vmem>>, vector<1x256xf32>
      %add3A_77 = vector.broadcast %get3A_76 : vector<1x256xf32> to vector<16x256xf32>
      %add3A_78 = arith.addf %dot_general3A_73, %add3A_77 : vector<16x256xf32>
      %get3A_79 = arith.constant 0 : index
      %get3A_80 = arith.constant 0 : index
      %get3A_81 = vector.load %arg7[%get3A_79, %get3A_80] : memref<1x256xf32, #tpu.memory_space<vmem>>, vector<1x256xf32>
      %add3A_82 = vector.broadcast %get3A_81 : vector<1x256xf32> to vector<16x256xf32>
      %add3A_83 = arith.addf %add3A_78, %add3A_82 : vector<16x256xf32>
      %swap3A_84 = arith.constant 0 : index
      %swap3A_85 = arith.constant 0 : index
      %swap3A_86 = vector.load %arg14[%swap3A_84, %swap3A_85] : memref<16x256xf32, #tpu.memory_space<vmem>>, vector<16x256xf32>
      tpu.vector_store %arg14[%swap3A_84, %swap3A_85], %add3A_83 {strides = array<i32>} : memref<16x256xf32, #tpu.memory_space<vmem>>, vector<16x256xf32>,
      %get3A_87 = arith.constant 0 : index
      %get3A_88 = arith.constant 0 : index
      %get3A_89 = vector.load %arg5[%get3A_87, %get3A_88] : memref<256x256xf32, #tpu.memory_space<vmem>>, vector<256x256xf32>
      %convert_element_type3A_90 = arith.truncf %get3A_89 : vector<256x256xf32> to vector<256x256xbf16>
      %swap3A_91 = arith.constant 0 : index
      %swap3A_92 = arith.constant 0 : index
      %swap3A_93 = vector.load %arg16[%swap3A_91, %swap3A_92] : memref<256x256xbf16, #tpu.memory_space<vmem>>, vector<256x256xbf16>
      tpu.vector_store %arg16[%swap3A_91, %swap3A_92], %convert_element_type3A_90 {strides = array<i32>} : memref<256x256xbf16, #tpu.memory_space<vmem>>, vector<256x256xbf16>,
    } else {
    }
    %iota3A = tpu.iota {dimensions = array<i32: 0>} : vector<16x4096xi32>
    %get3A = arith.constant 0 : index
    %get3A_2 = arith.constant 0 : index
    %get3A_3 = vector.load %arg1[%get3A, %get3A_2] : memref<4096x256xf32, #tpu.memory_space<vmem>>, vector<4096x256xf32>
    %convert_element_type3A_4 = arith.truncf %get3A_3 : vector<4096x256xf32> to vector<4096x256xbf16>
    %get3A_5 = arith.constant 0 : index
    %get3A_6 = arith.constant 0 : index
    %get3A_7 = arith.constant 0 : index
    %get3A_8 = vector.load %arg2[%get3A_5, %get3A_6, %get3A_7] : memref<1x1x4096xi32, #tpu.memory_space<vmem>>, vector<1x1x4096xi32>
    %get3A_9 = vector.shape_cast %get3A_8 : vector<1x1x4096xi32> to vector<1x4096xi32>
    %eq3A_10 = vector.broadcast %get3A_9 : vector<1x4096xi32> to vector<16x4096xi32>
    %eq3A_11 = arith.cmpi eq, %eq3A_10, %iota3A : vector<16x4096xi32>
    %convert_element_type3A_12 = arith.extui %eq3A_11 : vector<16x4096xi1> to vector<16x4096xi32>
    %convert_element_type3A_13 = arith.sitofp %convert_element_type3A_12 : vector<16x4096xi32> to vector<16x4096xf32>
    %get3A_14 = arith.constant 0 : index
    %get3A_15 = arith.constant 0 : index
    %get3A_16 = vector.load %arg16[%get3A_14, %get3A_15] : memref<256x256xbf16, #tpu.memory_space<vmem>>, vector<256x256xbf16>
    %dot_general3A = arith.constant dense<0.000000e+00> : vector<4096x256xf32>
    %dot_general3A_17 = tpu.matmul %convert_element_type3A_4, %get3A_16, %dot_general3A {dimension_numbers = #tpu.dot_dimension_numbers<[1], [1], [0], [0], [0, 0, 1, 0], [], []>, transpose_lhs_hint = false} : vector<4096x256xbf16>, vector<256x256xbf16>, vector<4096x256xf32> -> vector<4096x256xf32>
    %get3A_18 = arith.constant 0 : index
    %get3A_19 = arith.constant 0 : index
    %get3A_20 = vector.load %arg14[%get3A_18, %get3A_19] : memref<16x256xf32, #tpu.memory_space<vmem>>, vector<16x256xf32>
    %dot_general3A_21 = arith.constant dense<0.000000e+00> : vector<4096x256xf32>
    %dot_general3A_22 = tpu.matmul %convert_element_type3A_13, %get3A_20, %dot_general3A_21 {dimension_numbers = #tpu.dot_dimension_numbers<[0], [0], [1], [1], [0, 1, 1, 1], [], []>, transpose_lhs_hint = false} : vector<16x4096xf32>, vector<16x256xf32>, vector<4096x256xf32> -> vector<4096x256xf32>
    %add3A = arith.addf %dot_general3A_17, %dot_general3A_22 : vector<4096x256xf32>
    %mul3A = arith.constant -1.44269502 : f32
    %mul3A_23 = vector.broadcast %mul3A : f32 to vector<4096x256xf32>
    %mul3A_24 = arith.mulf %add3A, %mul3A_23 : vector<4096x256xf32>
    %exp23A = math.exp2 %mul3A_24 : vector<4096x256xf32>
    %add3A_25 = arith.constant 1.000000e+00 : f32
    %add3A_26 = vector.broadcast %add3A_25 : f32 to vector<4096x256xf32>
    %add3A_27 = arith.addf %add3A_26, %exp23A : vector<4096x256xf32>
    %div3A = arith.constant 1.000000e+00 : f32
    %div3A_28 = vector.broadcast %div3A : f32 to vector<4096x256xf32>
    %div3A_29 = arith.divf %div3A_28, %add3A_27 : vector<4096x256xf32>
    %get3A_30 = arith.constant 0 : index
    %get3A_31 = arith.constant 0 : index
    %get3A_32 = vector.load %arg8[%get3A_30, %get3A_31] : memref<1x256xf32, #tpu.memory_space<vmem>>, vector<1x256xf32>
    %dot_general3A_33 = arith.constant dense<0.000000e+00> : vector<1x4096xf32>
    %dot_general3A_34 = tpu.matmul %get3A_32, %div3A_29, %dot_general3A_33 {dimension_numbers = #tpu.dot_dimension_numbers<[1], [1], [0], [0], [0, 0, 1, 0], [], []>, transpose_lhs_hint = false} : vector<1x256xf32>, vector<4096x256xf32>, vector<1x4096xf32> -> vector<1x4096xf32>
    %get3A_35 = arith.constant 0 : index
    %get3A_36 = arith.constant 0 : index
    %get3A_37 = vector.load %arg9[%get3A_35, %get3A_36] : memref<1x1xf32, #tpu.memory_space<vmem>>, vector<1x1xf32>
    %add3A_38 = vector.broadcast %get3A_37 : vector<1x1xf32> to vector<1x4096xf32>
    %add3A_39 = arith.addf %dot_general3A_34, %add3A_38 : vector<1x4096xf32>
    %get3A_40 = arith.constant 0 : index
    %get3A_41 = arith.constant 0 : index
    %get3A_42 = arith.constant 0 : index
    %get3A_43 = vector.load %arg3[%get3A_40, %get3A_41, %get3A_42] : memref<1x1x4096xf32, #tpu.memory_space<vmem>>, vector<1x1x4096xf32>
    %get3A_44 = vector.shape_cast %get3A_43 : vector<1x1x4096xf32> to vector<1x4096xf32>
    %mul3A_45 = arith.mulf %add3A_39, %get3A_44 : vector<1x4096xf32>
    %mul3A_46 = vector.broadcast %mul3A_45 : vector<1x4096xf32> to vector<16x4096xf32>
    %mul3A_47 = arith.mulf %convert_element_type3A_13, %mul3A_46 : vector<16x4096xf32>
    %convert_element_type3A_48 = arith.truncf %mul3A_47 : vector<16x4096xf32> to vector<16x4096xbf16>
    %dot_general3A_49 = arith.constant dense<0.000000e+00> : vector<16x256xf32>
    %dot_general3A_50 = tpu.matmul %convert_element_type3A_48, %convert_element_type3A_4, %dot_general3A_49 {dimension_numbers = #tpu.dot_dimension_numbers<[1], [0], [0], [1], [0, 0, 1, 1], [], []>, transpose_lhs_hint = false} : vector<16x4096xbf16>, vector<4096x256xbf16>, vector<16x256xf32> -> vector<16x256xf32>
    %get3A_51 = arith.constant 0 : index
    %get3A_52 = arith.constant 0 : index
    %get3A_53 = vector.load %arg15[%get3A_51, %get3A_52] : memref<16x256xf32, #tpu.memory_space<vmem>>, vector<16x256xf32>
    %add3A_54 = arith.addf %get3A_53, %dot_general3A_50 : vector<16x256xf32>
    %swap3A = arith.constant 0 : index
    %swap3A_55 = arith.constant 0 : index
    %swap3A_56 = vector.load %arg15[%swap3A, %swap3A_55] : memref<16x256xf32, #tpu.memory_space<vmem>>, vector<16x256xf32>
    tpu.vector_store %arg15[%swap3A, %swap3A_55], %add3A_54 {strides = array<i32>} : memref<16x256xf32, #tpu.memory_space<vmem>>, vector<16x256xf32>,
    %eq3A_57 = arith.constant 7 : i32
    %eq3A_58 = arith.cmpi eq, %arg0, %eq3A_57 : i32
    %convert_element_type3A_59 = arith.extui %eq3A_58 : i1 to i32
    %cond3A_60 = arith.constant 0 : i32
    %cond3A_61 = arith.cmpi ne, %convert_element_type3A_59, %cond3A_60 : i32
    scf.if %cond3A_61 {
      %get3A_62 = arith.constant 0 : index
      %get3A_63 = arith.constant 0 : index
      %get3A_64 = vector.load %arg12[%get3A_62, %get3A_63] : memref<16x256xf32, #tpu.memory_space<vmem>>, vector<16x256xf32>
      %get3A_65 = arith.constant 0 : index
      %get3A_66 = arith.constant 0 : index
      %get3A_67 = vector.load %arg10[%get3A_65, %get3A_66] : memref<256x512xf32, #tpu.memory_space<vmem>>, vector<256x256xf32>
      %dot_general3A_68 = arith.constant dense<0.000000e+00> : vector<16x256xf32>
      %dot_general3A_69 = tpu.matmul %get3A_64, %get3A_67, %dot_general3A_68 {dimension_numbers = #tpu.dot_dimension_numbers<[1], [1], [0], [0], [0, 0, 1, 0], [], []>, transpose_lhs_hint = false} : vector<16x256xf32>, vector<256x256xf32>, vector<16x256xf32> -> vector<16x256xf32>
      %get3A_70 = arith.constant 0 : index
      %get3A_71 = arith.constant 0 : index
      %get3A_72 = vector.load %arg15[%get3A_70, %get3A_71] : memref<16x256xf32, #tpu.memory_space<vmem>>, vector<16x256xf32>
      %get3A_73 = arith.constant 0 : index
      %get3A_74 = arith.constant 256 : index
      %get3A_75 = vector.load %arg10[%get3A_73, %get3A_74] : memref<256x512xf32, #tpu.memory_space<vmem>>, vector<256x256xf32>
      %dot_general3A_76 = arith.constant dense<0.000000e+00> : vector<16x256xf32>
      %dot_general3A_77 = tpu.matmul %get3A_72, %get3A_75, %dot_general3A_76 {dimension_numbers = #tpu.dot_dimension_numbers<[1], [1], [0], [0], [0, 0, 1, 0], [], []>, transpose_lhs_hint = false} : vector<16x256xf32>, vector<256x256xf32>, vector<16x256xf32> -> vector<16x256xf32>
      %add3A_78 = arith.addf %dot_general3A_69, %dot_general3A_77 : vector<16x256xf32>
      %get3A_79 = arith.constant 0 : index
      %get3A_80 = arith.constant 0 : index
      %get3A_81 = vector.load %arg11[%get3A_79, %get3A_80] : memref<1x256xf32, #tpu.memory_space<vmem>>, vector<1x256xf32>
      %add3A_82 = vector.broadcast %get3A_81 : vector<1x256xf32> to vector<16x256xf32>
      %add3A_83 = arith.addf %add3A_78, %add3A_82 : vector<16x256xf32>
      %swap3A_84 = arith.constant 0 : index
      %swap3A_85 = arith.constant 0 : index
      %swap3A_86 = vector.load %arg13[%swap3A_84, %swap3A_85] : memref<16x256xf32, #tpu.memory_space<vmem>>, vector<16x256xf32>
      tpu.vector_store %arg13[%swap3A_84, %swap3A_85], %add3A_83 {strides = array<i32>} : memref<16x256xf32, #tpu.memory_space<vmem>>, vector<16x256xf32>,
    } else {
    }
    return
  }
  func.func @transform_0(%arg0: i32) -> (i32, i32) {
    %c0_i32 = arith.constant 0 : i32
    %c0_i32_0 = arith.constant 0 : i32
    return %arg0, %c0_i32 : i32, i32
  }
  func.func @transform_1(%arg0: i32) -> (i32, i32, i32) {
    %c0_i32 = arith.constant 0 : i32
    %c0_i32_0 = arith.constant 0 : i32
    %c0_i32_1 = arith.constant 0 : i32
    return %arg0, %c0_i32, %c0_i32_0 : i32, i32, i32
  }
  func.func @transform_2(%arg0: i32) -> (i32, i32, i32) {
    %c0_i32 = arith.constant 0 : i32
    %c0_i32_0 = arith.constant 0 : i32
    %c0_i32_1 = arith.constant 0 : i32
    return %arg0, %c0_i32, %c0_i32_0 : i32, i32, i32
  }
  func.func @transform_3(%arg0: i32) -> (i32, i32) {
    %c0_i32 = arith.constant 0 : i32
    %c0_i32_0 = arith.constant 0 : i32
    %c0_i32_1 = arith.constant 0 : i32
    return %c0_i32, %c0_i32_0 : i32, i32
  }
  func.func @transform_4(%arg0: i32) -> (i32, i32) {
    %c0_i32 = arith.constant 0 : i32
    %c0_i32_0 = arith.constant 0 : i32
    %c0_i32_1 = arith.constant 0 : i32
    return %c0_i32, %c0_i32_0 : i32, i32
  }
  func.func @transform_5(%arg0: i32) -> (i32, i32) {
    %c0_i32 = arith.constant 0 : i32
    %c0_i32_0 = arith.constant 0 : i32
    %c0_i32_1 = arith.constant 0 : i32
    return %c0_i32, %c0_i32_0 : i32, i32
  }
  func.func @transform_6(%arg0: i32) -> (i32, i32) {
    %c0_i32 = arith.constant 0 : i32
    %c0_i32_0 = arith.constant 0 : i32
    %c0_i32_1 = arith.constant 0 : i32
    return %c0_i32, %c0_i32_0 : i32, i32
  }
  func.func @transform_7(%arg0: i32) -> (i32, i32) {
    %c0_i32 = arith.constant 0 : i32
    %c0_i32_0 = arith.constant 0 : i32
    %c0_i32_1 = arith.constant 0 : i32
    return %c0_i32, %c0_i32_0 : i32, i32
  }
  func.func @transform_8(%arg0: i32) -> (i32, i32) {
    %c0_i32 = arith.constant 0 : i32
    %c0_i32_0 = arith.constant 0 : i32
    %c0_i32_1 = arith.constant 0 : i32
    return %c0_i32, %c0_i32_0 : i32, i32
  }
  func.func @transform_9(%arg0: i32) -> (i32, i32) {
    %c0_i32 = arith.constant 0 : i32
    %c0_i32_0 = arith.constant 0 : i32
    %c0_i32_1 = arith.constant 0 : i32
    return %c0_i32, %c0_i32_0 : i32, i32
  }
  func.func @transform_10(%arg0: i32) -> (i32, i32) {
    %c0_i32 = arith.constant 0 : i32
    %c0_i32_0 = arith.constant 0 : i32
    %c0_i32_1 = arith.constant 0 : i32
    return %c0_i32, %c0_i32_0 : i32, i32
  }
  func.func @transform_11(%arg0: i32) -> (i32, i32) {
    %c0_i32 = arith.constant 0 : i32
    %c0_i32_0 = arith.constant 0 : i32
    %c0_i32_1 = arith.constant 0 : i32
    return %c0_i32, %c0_i32_0 : i32, i32
  }
  func.func @transform_12(%arg0: i32) -> (i32, i32) {
    %c0_i32 = arith.constant 0 : i32
    %c0_i32_0 = arith.constant 0 : i32
    %c0_i32_1 = arith.constant 0 : i32
    return %c0_i32, %c0_i32_0 : i32, i32
  }
}

</mosaic_0001>

<sc_bundles>
// kernel: kernel.4.cloned.1.call-start
scs
__scs_entry_jumppad:
0x0: {  	(pc) =	sbr.rel $0x88, $3  }
0x1: {  	(tag) =	ssettag $0x0;
	lr =	simm.s32 $0x1  }
0x2: {  	[smem:$0x3F96] =	sst lr;
	_ =	strace $0xD0000000  }
0x3: {  	_ = 	snop  }
0x4: {  	_ = 	snop  }
0x5: {  	_ = 	snop  }
0x6: {  	_ = 	snop  }
0x7: {  	_ = 	snop  }
__scs_overlays_trampoline_lowered:
0x8: {  	[smem:$0x3FA5] =	sst s0  }
0x9: {  	[smem:$0x3FA6] =	sst s1  }
0xa: {  	[smem:$0x3FA7] =	sst s2  }
0xb: {  	[smem:$0x3FA8] =	sst s3  }
0xc: {  	[smem:$0x3FA9] =	sst s4  }
0xd: {  	[smem:$0x3FAA] =	sst s5  }
0xe: {  	[smem:$0x3FAB] =	sst s6  }
0xf: {  	[smem:$0x3FAC] =	sst s7  }
0x10: {  	[smem:$0x3FAD] =	sst s8  }
0x11: {  	[smem:$0x3FAE] =	sst s9;
	s0 =	simm.s32 @!p0 $0x0  }
0x12: {  	s1 =	sld [smem:$0x3F94];
	s0 =	simm.s32 @p0 $0x1  }
0x13: {  	[smem:$0x3FAF] =	sst s0;
	s0 =	simm.s32 @!p1 $0x0  }
0x14: {  	s2 =	sld [smem:$0x3F93];
	s0 =	simm.s32 @p1 $0x1  }
0x15: {  	[smem:$0x3FB0] =	sst s0;
	s0 =	simm.s32 @!p2 $0x0  }
0x16: {  	s3 =	sld [smem:$0x3FDB];
	s0 =	simm.s32 @p2 $0x1  }
0x17: {  	s4 =	simm.s32 $0x1BF5;
	[smem:$0x3FB2] =	sst s0  }
0x18: {  	s0 =	sld [smem:$0x3F95];
	_ =	swait.ge [sflag:s4], $0x0  }
0x19: {  	s7 =	sld [smem:$0x3F96]  }
0x1a: {  	s8 =	sadd.s32 $0xFFFFE003, lr  }
0x1b: {  	s9 =	sadd.s32 $0xFFFFFEF7, lr;
	s5 =	simm.s32 $0xFFFFFFFF;
	p2 =	slt.u32 s8, $0xFFFFF086  }
0x1c: {  	p1 =	slt.u32 s9, $0xF7A;
	s5 =	simm.s32 @!p2 $0x0  }
0x1d: {  	s5 =	simm.s32 @p1 $0x1;
	p0 =	seq.s32 s7, s2  }
0x1e: {  	s7 =	smul.u32 @!p0 $0xF7A, s2;
	p2 =	seq.s32 @!p0 s5, $0x0  }
0x1f: {  	s9 =	smul.u32 $0xF7A, s1;
	s8 =	simm.s32 @!p0 $0x1BF5;
	p2 =	por !p2, p0  }
0x20: {  	[sflag:s8] =	ssyncset.s32 @!p0 $0xFFFFF086;
	s6 =	sadd.s32 @!p0 s3, s7;
	s7 =	simm.s32 @!p0 $0x108  }
0x21: {  	s3 =	sadd.s32 s3, s9;
	s6 =	sadd.s32 @!p0 $0x88, s6;
	s7 =	simm.s32 @p2 $0x1082  }
0x22: {  	[simem:s7], [sflag:s8] =	dma.local @!p0 [hbm:s6], $0xF7A  }
0x23: {  	s9 =	sor.u32 $0xD0000000, s2;
	s6 =	simm.s32 $0x108;
	_ =	swait.ge @!p0 [sflag:s8], $0x0  }
0x24: {  	s3 =	sadd.s32 $0x88, s3;
	s6 =	simm.s32 @!p1 $0x1082;
	[sflag:s4] =	ssyncset.s32 $0xFFFFF086  }
0x25: {  	[simem:s6], [sflag:s4] =	dma.local [hbm:s3], $0xF7A  }
0x26: {  	[smem:$0x3F96] =	sst s1;
	(tag) =	ssettag s2;
	_ =	strace s9  }
0x27: {  	s1 =	sld [smem:$0x3FA6]  }
0x28: {  	s2 =	sld [smem:$0x3FA7]  }
0x29: {  	s4 =	sld [smem:$0x3FA9]  }
0x2a: {  	p0 =	seq.s32 s5, $0x0;
	s5 =	sld [smem:$0x3FAA]  }
0x2b: {  	s6 =	sld [smem:$0x3FAB]  }
0x2c: {  	s7 =	sld [smem:$0x3FAC]  }
0x2d: {  	s3 =	simm.s32 $0x108;
	s8 =	sld [smem:$0x3FAD]  }
0x2e: {  	s3 =	simm.s32 @!p0 $0x1082;
	s9 =	sld [smem:$0x3FAE]  }
0x2f: {  	lr =	sadd.s32 s0, s3;
	s0 =	sld [smem:$0x3FA5]  }
0x30: {  	s3 =	sld [smem:$0x3FA8]  }
0x31: {  	[smem:$0x3FB1] =	sst s10  }
0x32: {  	s10 =	sld [smem:$0x3FAF];
	_ =	sdelay $0x3  }
0x33: {  	p0 =	seq.s32 s10, $0x1;
	s10 =	sld [smem:$0x3FB1];
	_ =	sdelay $0x3  }
0x34: {  	[smem:$0x3FB1] =	sst s10  }
0x35: {  	s10 =	sld [smem:$0x3FB0];
	_ =	sdelay $0x3  }
0x36: {  	p1 =	seq.s32 s10, $0x1;
	s10 =	sld [smem:$0x3FB1];
	_ =	sdelay $0x3  }
0x37: {  	[smem:$0x3FB1] =	sst s10  }
0x38: {  	s10 =	sld [smem:$0x3FB2]  }
0x39: {  	_ = 	snop;
	(pc) =	sbr.ind lr, $3  }
0x3a: {  	_ = 	snop  }
0x3b: {  	_ = 	snop  }
0x3c: {  	p2 =	seq.s32 s10, $0x1;
	s10 =	sld [smem:$0x3FB1]  }
0x3d: {  	_ =	shalt  }
0x3e: {  	_ =	shalt  }
0x3f: {  	_ =	shalt  }
0x40: {  	_ =	shalt  }
0x41: {  	_ =	shalt  }
0x42: {  	_ =	shalt  }
0x43: {  	_ =	shalt  }
0x44: {  	_ =	shalt  }
0x45: {  	_ =	shalt  }
0x46: {  	_ =	shalt  }
0x47: {  	_ =	shalt  }
0x48: {  	_ =	shalt  }
0x49: {  	_ =	shalt  }
0x4a: {  	_ =	shalt  }
0x4b: {  	_ =	shalt  }
0x4c: {  	_ =	shalt  }
0x4d: {  	_ =	shalt  }
0x4e: {  	_ =	shalt  }
0x4f: {  	_ =	shalt  }
0x50: {  	_ =	shalt  }
0x51: {  	_ =	shalt  }
0x52: {  	_ =	shalt  }
0x53: {  	_ =	shalt  }
0x54: {  	_ =	shalt  }
0x55: {  	_ =	shalt  }
0x56: {  	_ =	shalt  }
0x57: {  	_ =	shalt  }
0x58: {  	_ =	shalt  }
0x59: {  	_ =	shalt  }
0x5a: {  	_ =	shalt  }
0x5b: {  	_ =	shalt  }
0x5c: {  	_ =	shalt  }
0x5d: {  	_ =	shalt  }
0x5e: {  	_ =	shalt  }
0x5f: {  	_ =	shalt  }
0x60: {  	_ =	shalt  }
0x61: {  	_ =	shalt  }
0x62: {  	_ =	shalt  }
0x63: {  	_ =	shalt  }
0x64: {  	_ =	shalt  }
0x65: {  	_ =	shalt  }
0x66: {  	_ =	shalt  }
0x67: {  	_ =	shalt  }
0x68: {  	_ =	shalt  }
0x69: {  	_ =	shalt  }
0x6a: {  	_ =	shalt  }
0x6b: {  	_ =	shalt  }
0x6c: {  	_ =	shalt  }
0x6d: {  	_ =	shalt  }
0x6e: {  	_ =	shalt  }
0x6f: {  	_ =	shalt  }
0x70: {  	_ =	shalt  }
0x71: {  	_ =	shalt  }
0x72: {  	_ =	shalt  }
0x73: {  	_ =	shalt  }
0x74: {  	_ =	shalt  }
0x75: {  	_ =	shalt  }
0x76: {  	_ =	shalt  }
0x77: {  	_ =	shalt  }
0x78: {  	_ =	shalt  }
0x79: {  	_ =	shalt  }
0x7a: {  	_ =	shalt  }
0x7b: {  	_ =	shalt  }
0x7c: {  	_ =	shalt  }
0x7d: {  	_ =	shalt  }
0x7e: {  	_ =	shalt  }
0x7f: {  	_ =	shalt  }
0x80: {  	_ =	shalt  }
0x81: {  	_ =	shalt  }
0x82: {  	_ =	shalt  }
0x83: {  	_ =	shalt  }
0x84: {  	_ =	shalt  }
0x85: {  	_ =	shalt  }
0x86: {  	_ =	shalt  }
0x87: {  	_ =	shalt  }
.Lfunc_end0:
.L_simem_size_0:
called_computation_lowered:
.L_overlay_start_0:
0x88: {  	s2 =	sld [smem:$0x3FD9]  }
0x89: {  	s3 =	sld [smem:$0x3FFE];
	_ =	sdelay $0x1  }
0x8a: {  	s1 =	srdreg.scid  }
0x8b: {  	s0 =	sand.u32 $0x1, s1  }
0x8c: {  	s18 =	sshll.u32 s0, $0xA;
	s2 =	sadd.s32 s3, s2  }
0x8d: {  	s2 =	sadd.s32 s2, s18  }
0x8e: {  	[smem:$0x3FBD] =	sst s2  }
0x8f: {  	_ = 	snop  }
0x90: {  	s2 =	sld [smem:$0x3FC9]  }
0x91: {  	s19 =	sld [smem:$0x3FC8]  }
0x92: {  	s4 =	sld [smem:$0x3FD0];
	(tm) =	ssettm $0x1  }
0x93: {  	s5 =	sld [smem:$0x3FFB];
	_ =	sdelay $0x3  }
0x94: {  	_ =	strace s5  }
0x95: {  	s5 =	sld [smem:$0x3FFC];
	_ =	sdelay $0x3  }
0x96: {  	_ =	strace s5  }
0x97: {  	s5 =	sld [smem:$0x3FFD];
	_ =	sdelay $0x3  }
0x98: {  	_ =	strace s5  }
0x99: {  	_ =	strace $0x8FFFFFFF  }
0x9a: {  	s20 =	sld [smem:$0x3FDB];
	_ =	sdelay $0x1  }
0x9b: {  	s6 =	simm.s32 $_scs_section_size  }
0x9c: {  	s7 =	simm.s32 $_size__tile_overlayer_lowered;
	s8 =	simm.s32 $_tile_overlayer_lowered  }
0x9d: {  	s23 =	simm.s32 $0x1BFF;
	s22 =	sshll.u32 s8, $0x1;
	s5 =	sadd.s32 s6, s20  }
0x9e: {  	s9 =	simm.s32 $0x0;
	s21 =	sshll.u32 s7, $0x1;
	s7 =	sadd.s32 s22, s5  }
0x9f: {  	[timem:s9], [sflag:s23] =	dma.local [hbm:s7], s21  }
0xa0: {  	_ =	swait.ge [sflag:s23], s21  }
0xa1: {  	s6 =	ssub.s32 $0x0, s21;
	[sflag:s23] =	ssyncset.done $0x0  }
0xa2: {  	[sflag:s23] =	ssyncadd.s32 s6;
	_ =	sdelay $0x1  }
0xa3: {  	s24 =	simm.s32 $0x1B8B  }
0xa4: {  	_ =	swait.ge [sflag:s24], $0x1  }
0xa5: {  	[sflag:s24] =	ssyncset.done $0x0  }
0xa6: {  	s25 =	simm.s32 $0x1B8E;
	[sflag:s24] =	ssyncadd.s32 $0xFFFFFFFF  }
0xa7: {  	s26 =	simm.s32 $execute0_lowered;
	[smem:$0x3FD2] =	sst s25  }
0xa8: {  	s6 =	sshll.u32 s26, $0x1;
	_ =	strace $0x80000046;
	[dreg:$0x1] =	wrdreg $0xFFFFFFFF  }
0xa9: {  	s28 =	simm.s32 $_size_execute0_lowered;
	s5 =	sadd.s32 s5, s6;
	[dreg:$0x0] =	wrdreg $0x0  }
0xaa: {  	s6 =	sshll.u32 s28, $0x1;
	[dreg:$0x2] =	wrdreg s5  }
0xab: {  	[dreg:$0x3] =	wrdreg s6  }
0xac: {  	[dreg:$0x4] =	wrdreg $0xC0  }
0xad: {  	_ =	task [dreg:s9], $0x5FFFF  }
0xae: {  	[dreg:$0x1] =	wrdreg $0xFFFFFFFF  }
0xaf: {  	[dreg:$0x0] =	wrdreg $0x60  }
0xb0: {  	[dreg:$0x2] =	wrdreg s2  }
0xb1: {  	[dreg:$0x3] =	wrdreg s19  }
0xb2: {  	[dreg:$0x4] =	wrdreg s4  }
0xb3: {  	[dreg:$0x5] =	wrdreg $0x9  }
0xb4: {  	_ =	task.clear_ibuf [dreg:s9], $0x6FFFF;
	_ =	strace $0x90000046  }
0xb5: {  	s29 =	simm.s32 $0x9;
	_ =	strace $0x80000048  }
0xb6: {  	_ =	swait.ge [sflag:s29], $0x1  }
0xb7: {  	[sflag:s29] =	ssyncadd.s32 $0xFFFFFFFF  }
0xb8: {  	_ =	strace $0x90000048  }
0xb9: {  	_ =	sfence  }
0xba: {  	s30 =	sld [smem:$0x0];
	_ =	sdelay $0x2  }
0xbb: {  	s31 =	sshll.u32 s1, $0xD;
	s1 =	sshrl.u32 s1, $0x2  }
0xbc: {  	s3 =	sand.u32 $0x4000, s31;
	s1 =	sadd.s32 s1, s30  }
0xbd: {  	s0 =	sor.u32 s3, s0;
	s1 =	sshll.u32 s1, $0x11  }
0xbe: {  	s0 =	sor.u32 s1, s0  }
0xbf: {  	s0 =	sadd.s32 $0x8F2B, s0  }
0xc0: {  	[sflag:s0] =	ssyncadd.remote.s32 $0x1  }
0xc1: {  	_ =	sfence.sel $0xFFFF  }
0xc2: {  	[dreg:$0x0] =	wrdreg $0xFFFFFFFF;
	(pc) =	sbr.abs _section_cstart, $3  }
0xc3: {  	[dreg:$0x1] =	wrdreg $0xFFFFFFFF  }
0xc4: {  	_ =	task.clear_ibuf [dreg:s9], $0x2FFFF;
	_ =	strace $0x9FFFFFFF  }
0xc5: {  	(tm) =	ssettm $0x7FFFFFFF  }
tec
execute0_lowered:
.L_overlay_start_1:
0x0: {  	(tag) =	ssettag $0x1  }
0x1: {  	s1 =	srdreg.scid  }
0x2: {  	s1 =	sand.u32 $0x1, s1  }
0x3: {  	p0 =	seq.s32 s1, $0x1  }
.Ltmp0:
0x4: {  	s3 =	rddreg [dreg:$0x0];
	(pc) =	sbr.rel @p0 .LBB2_2-.Ltmp0, $4  }
0x5: {  	s6 =	rddreg [dreg:$0x1]  }
0x6: {  	s2 =	rddreg [dreg:$0x2];
	s4 =	simm.s32 $0x0  }
0x7: {  	[smem:$0x7FF] =	sst s4  }
0x8: {  	s0 =	rddreg [dreg:$0x3];
	_ =	strace $0x80000047;
	s1 =	stileid.u32  }
0x9: {  	s5 =	sadd.s32 $0xFF, s6  }
0xa: {  	[tilespmem:s4], [sflag:$0x1] =	stream.linear.gather [hbm4b:s5+s4], $0x8, $0x38;
	[tilespmem:$0xA80] =	vst v63  }
0xb: {  	s16 =	sadd.s32 $0x1FF, s6;
	s7 =	simm.s32 $0x8  }
0xc: {  	[tilespmem:s7], [sflag:$0x1] =	stream.linear.gather [hbm4b:s16+s4], $0x8, $0x38;
	[tilespmem:$0xA80] =	vst v63  }
0xd: {  	s17 =	sadd.s32 $0x2FF, s6;
	s18 =	simm.s32 $0x10  }
0xe: {  	[tilespmem:s18], [sflag:$0x1] =	stream.linear.gather [hbm4b:s17+s4], $0x8, $0x38;
	[tilespmem:$0xA80] =	vst v63  }
0xf: {  	s19 =	sadd.s32 $0x3FF, s6;
	s20 =	simm.s32 $0x18  }
0x10: {  	[tilespmem:s20], [sflag:$0x1] =	stream.linear.gather [hbm4b:s19+s4], $0x8, $0x38;
	[tilespmem:$0xA80] =	vst v63  }
0x11: {  	s21 =	sadd.s32 $0x4FF, s6;
	s22 =	simm.s32 $0x20  }
0x12: {  	[tilespmem:s22], [sflag:$0x1] =	stream.linear.gather [hbm4b:s21+s4], $0x8, $0x38;
	[tilespmem:$0xA80] =	vst v63  }
0x13: {  	s23 =	sadd.s32 $0x5FF, s6;
	s24 =	simm.s32 $0x28  }
0x14: {  	[tilespmem:s24], [sflag:$0x1] =	stream.linear.gather [hbm4b:s23+s4], $0x8, $0x38;
	[tilespmem:$0xA80] =	vst v63  }
0x15: {  	s25 =	sadd.s32 $0x6FF, s6;
	s26 =	simm.s32 $0x30  }
0x16: {  	[tilespmem:s26], [sflag:$0x1] =	stream.linear.gather [hbm4b:s25+s4], $0x8, $0x38;
	[tilespmem:$0xA80] =	vst v63  }
0x17: {  	s28 =	sadd.s32 $0x7FF, s6;
	s29 =	simm.s32 $0x38  }
0x18: {  	[tilespmem:s29], [sflag:$0x1] =	stream.linear.gather [hbm4b:s28+s4], $0x8, $0x38;
	[tilespmem:$0xA80] =	vst v63  }
0x19: {  	s30 =	sadd.s32 $0x8FF, s6;
	s31 =	simm.s32 $0x40  }
0x1a: {  	[tilespmem:s31], [sflag:$0x1] =	stream.linear.gather [hbm4b:s30+s4], $0x8, $0x38;
	[tilespmem:$0xA80] =	vst v63  }
0x1b: {  	s8 =	simm.s32 $0x48;
	s7 =	sadd.s32 $0x9FF, s6  }
0x1c: {  	[tilespmem:s8], [sflag:$0x1] =	stream.linear.gather [hbm4b:s7+s4], $0x8, $0x38;
	[tilespmem:$0xA80] =	vst v63  }
0x1d: {  	s9 =	sadd.s32 $0xAFF, s6;
	s10 =	simm.s32 $0x50  }
0x1e: {  	[tilespmem:s10], [sflag:$0x1] =	stream.linear.gather [hbm4b:s9+s4], $0x8, $0x38;
	[tilespmem:$0xA80] =	vst v63  }
0x1f: {  	s11 =	sadd.s32 $0xBFF, s6;
	s12 =	simm.s32 $0x58  }
0x20: {  	[tilespmem:s12], [sflag:$0x1] =	stream.linear.gather [hbm4b:s11+s4], $0x8, $0x38;
	[tilespmem:$0xA80] =	vst v63  }
0x21: {  	s13 =	sadd.s32 $0xCFF, s6;
	s14 =	simm.s32 $0x60  }
0x22: {  	[tilespmem:s14], [sflag:$0x1] =	stream.linear.gather [hbm4b:s13+s4], $0x8, $0x38;
	[tilespmem:$0xA80] =	vst v63  }
0x23: {  	s15 =	sadd.s32 $0xDFF, s6;
	s16 =	simm.s32 $0x68  }
0x24: {  	[tilespmem:s16], [sflag:$0x1] =	stream.linear.gather [hbm4b:s15+s4], $0x8, $0x38;
	[tilespmem:$0xA80] =	vst v63  }
0x25: {  	s17 =	sadd.s32 $0xEFF, s6;
	s18 =	simm.s32 $0x70  }
0x26: {  	[tilespmem:s18], [sflag:$0x1] =	stream.linear.gather [hbm4b:s17+s4], $0x8, $0x38;
	[tilespmem:$0xA80] =	vst v63  }
0x27: {  	s5 =	simm.s32 $0x1;
	s19 =	sadd.s32 $0xFFF, s6;
	s20 =	simm.s32 $0x78  }
0x28: {  	[tilespmem:s20], [sflag:$0x1] =	stream.linear.gather [hbm4b:s19+s4], $0x8, $0x38;
	[tilespmem:$0xA80] =	vst v63  }
0x29: {  	_ =	swait.ge [sflag:s5], $0x8  }
0x2a: {  	[sflag:s5] =	ssyncset.done $0x0  }
0x2b: {  	[sflag:s5] =	ssyncadd.s32 $0xFFFFFFF8  }
0x2c: {  	_ =	swait.ge [sflag:s5], $0x8  }
0x2d: {  	[sflag:s5] =	ssyncset.done $0x0  }
0x2e: {  	[sflag:s5] =	ssyncadd.s32 $0xFFFFFFF8  }
0x2f: {  	_ =	swait.ge [sflag:s5], $0x8  }
0x30: {  	[sflag:s5] =	ssyncset.done $0x0  }
0x31: {  	[sflag:s5] =	ssyncadd.s32 $0xFFFFFFF8  }
0x32: {  	_ =	swait.ge [sflag:s5], $0x8  }
0x33: {  	[sflag:s5] =	ssyncset.done $0x0  }
0x34: {  	[sflag:s5] =	ssyncadd.s32 $0xFFFFFFF8  }
0x35: {  	_ =	swait.ge [sflag:s5], $0x8  }
0x36: {  	[sflag:s5] =	ssyncset.done $0x0  }
0x37: {  	[sflag:s5] =	ssyncadd.s32 $0xFFFFFFF8  }
0x38: {  	_ =	swait.ge [sflag:s5], $0x8  }
0x39: {  	[sflag:s5] =	ssyncset.done $0x0  }
0x3a: {  	[sflag:s5] =	ssyncadd.s32 $0xFFFFFFF8  }
0x3b: {  	_ =	swait.ge [sflag:s5], $0x8  }
0x3c: {  	[sflag:s5] =	ssyncset.done $0x0  }
0x3d: {  	[sflag:s5] =	ssyncadd.s32 $0xFFFFFFF8  }
0x3e: {  	_ =	swait.ge [sflag:s5], $0x8  }
0x3f: {  	[sflag:s5] =	ssyncset.done $0x0  }
0x40: {  	[sflag:s5] =	ssyncadd.s32 $0xFFFFFFF8  }
0x41: {  	_ =	swait.ge [sflag:s5], $0x8  }
0x42: {  	[sflag:s5] =	ssyncset.done $0x0  }
0x43: {  	[sflag:s5] =	ssyncadd.s32 $0xFFFFFFF8  }
0x44: {  	_ =	swait.ge [sflag:s5], $0x8  }
0x45: {  	[sflag:s5] =	ssyncset.done $0x0  }
0x46: {  	[sflag:s5] =	ssyncadd.s32 $0xFFFFFFF8  }
0x47: {  	_ =	swait.ge [sflag:s5], $0x8  }
0x48: {  	[sflag:s5] =	ssyncset.done $0x0  }
0x49: {  	[sflag:s5] =	ssyncadd.s32 $0xFFFFFFF8  }
0x4a: {  	_ =	swait.ge [sflag:s5], $0x8  }
0x4b: {  	[sflag:s5] =	ssyncset.done $0x0  }
0x4c: {  	[sflag:s5] =	ssyncadd.s32 $0xFFFFFFF8  }
0x4d: {  	_ =	swait.ge [sflag:s5], $0x8  }
0x4e: {  	[sflag:s5] =	ssyncset.done $0x0  }
0x4f: {  	[sflag:s5] =	ssyncadd.s32 $0xFFFFFFF8  }
0x50: {  	_ =	swait.ge [sflag:s5], $0x8  }
0x51: {  	[sflag:s5] =	ssyncset.done $0x0  }
0x52: {  	[sflag:s5] =	ssyncadd.s32 $0xFFFFFFF8  }
0x53: {  	_ =	swait.ge [sflag:s5], $0x8  }
0x54: {  	[sflag:s5] =	ssyncset.done $0x0  }
0x55: {  	[sflag:s5] =	ssyncadd.s32 $0xFFFFFFF8  }
0x56: {  	_ =	swait.ge [sflag:s5], $0x8  }
0x57: {  	[sflag:s5] =	ssyncset.done $0x0  }
0x58: {  	[sflag:s5] =	ssyncadd.s32 $0xFFFFFFF8  }
0x59: {  	v0 =	vld [tilespmem:$0x0]  }
0x5a: {  	v1 =	vld [tilespmem:$0x8]  }
0x5b: {  	v2 =	vld [tilespmem:$0x10]  }
0x5c: {  	v3 =	vld [tilespmem:$0x18]  }
0x5d: {  	v42 =	vld [tilespmem:$0x20]  }
0x5e: {  	v43 =	vld [tilespmem:$0x28];
	(v2sf) =	vpush v0, $0x7  }
0x5f: {  	(v2sf) =	vpush v1, $0x7  }
0x60: {  	v44 =	vld [tilespmem:$0x30];
	(v2sf) =	vpush v2, $0x7  }
0x61: {  	v45 =	vld [tilespmem:$0x38];
	(v2sf) =	vpush v3, $0x7  }
0x62: {  	(v2sf) =	vpush v42, $0x7  }
0x63: {  	v46 =	vld [tilespmem:$0x40];
	(v2sf) =	vpush v43, $0x7;
	_ =	sdelay $0x1  }
0x64: {  	(v2sf) =	vpush v44, $0x7  }
0x65: {  	v47 =	vld [tilespmem:$0x48];
	(v2sf) =	vpush v45, $0x7;
	_ =	sdelay $0x1  }
0x66: {  	(v2sf) =	vpush v46, $0x7  }
0x67: {  	v4 =	vld [tilespmem:$0x50];
	_ =	sdelay $0x1  }
0x68: {  	v48 =	vld [tilespmem:$0x58];
	(v2sf) =	vpush v47, $0x7  }
0x69: {  	v49 =	vld [tilespmem:$0x60]  }
0x6a: {  	s21 =	spop (v2sf)  }
0x6b: {  	s7 =	simm.s32 $0x1;
	v50 =	vld [tilespmem:$0x68];
	(v2sf) =	vpush v4, $0x7;
	s8 =	spop (v2sf);
	p0 =	sle.s32 s21, s1  }
0x6c: {  	v51 =	vld [tilespmem:$0x70];
	s9 =	spop (v2sf);
	p1 =	sle.s32 s8, s1;
	s8 =	simm.s32 $0x1  }
0x6d: {  	(v2sf) =	vpush v48, $0x7;
	s7 =	simm.s32 @!p0 $0x0;
	s10 =	spop (v2sf);
	s8 =	simm.s32 @!p1 $0x0  }
0x6e: {  	v52 =	vld [tilespmem:$0x78];
	(v2sf) =	vpush v49, $0x7;
	p0 =	sle.s32 s9, s1;
	s9 =	simm.s32 $0x1;
	s11 =	spop (v2sf)  }
0x6f: {  	s7 =	sadd.s32 s7, s8;
	s8 =	simm.s32 $0x1;
	s22 =	spop (v2sf)  }
0x70: {  	(v2sf) =	vpush v50, $0x7;
	s8 =	simm.s32 @!p0 $0x0;
	p0 =	sle.s32 s10, s1;
	s10 =	simm.s32 $0x1  }
0x71: {  	(v2sf) =	vpush v51, $0x7;
	s12 =	spop (v2sf);
	s7 =	sadd.s32 s8, s7;
	s10 =	simm.s32 @!p0 $0x0  }
0x72: {  	p0 =	sle.s32 s11, s1;
	s8 =	simm.s32 $0x1;
	s23 =	spop (v2sf)  }
0x73: {  	(v2sf) =	vpush v52, $0x7;
	s7 =	sadd.s32 s10, s7;
	s8 =	simm.s32 @!p0 $0x0;
	p0 =	sle.s32 s22, s1  }
0x74: {  	s13 =	spop (v2sf);
	s7 =	sadd.s32 s8, s7;
	s9 =	simm.s32 @!p0 $0x0  }
0x75: {  	p0 =	sle.s32 s12, s1;
	s8 =	simm.s32 $0x1;
	s7 =	sadd.s32 s9, s7  }
0x76: {  	s8 =	simm.s32 @!p0 $0x0;
	p0 =	sle.s32 s23, s1;
	s9 =	simm.s32 $0x1  }
0x77: {  	s24 =	spop (v2sf);
	s7 =	sadd.s32 s8, s7;
	s9 =	simm.s32 @!p0 $0x0  }
0x78: {  	p0 =	sle.s32 s13, s1;
	s8 =	simm.s32 $0x1;
	s7 =	sadd.s32 s9, s7  }
0x79: {  	s8 =	simm.s32 @!p0 $0x0;
	p0 =	sle.s32 s24, s1;
	s9 =	simm.s32 $0x1  }
0x7a: {  	s14 =	spop (v2sf);
	s7 =	sadd.s32 s8, s7;
	s9 =	simm.s32 @!p0 $0x0  }
0x7b: {  	p0 =	sle.s32 s14, s1;
	s8 =	simm.s32 $0x1;
	s7 =	sadd.s32 s9, s7  }
0x7c: {  	s8 =	simm.s32 @!p0 $0x0;
	s9 =	simm.s32 $0x1;
	s25 =	spop (v2sf)  }
0x7d: {  	s7 =	sadd.s32 s8, s7;
	s26 =	spop (v2sf);
	p0 =	sle.s32 s25, s1  }
0x7e: {  	s8 =	simm.s32 $0x1;
	s9 =	simm.s32 @!p0 $0x0;
	p0 =	sle.s32 s26, s1  }
0x7f: {  	s28 =	spop (v2sf);
	s7 =	sadd.s32 s9, s7;
	s8 =	simm.s32 @!p0 $0x0  }
0x80: {  	p0 =	sle.s32 s28, s1;
	s9 =	simm.s32 $0x1;
	s29 =	spop (v2sf)  }
0x81: {  	s7 =	sadd.s32 s8, s7;
	s9 =	simm.s32 @!p0 $0x0;
	p0 =	sle.s32 s29, s1  }
0x82: {  	s8 =	simm.s32 $0x1;
	s30 =	spop (v2sf);
	s7 =	sadd.s32 s9, s7  }
0x83: {  	s8 =	simm.s32 @!p0 $0x0;
	p0 =	sle.s32 s30, s1;
	s9 =	simm.s32 $0x1  }
0x84: {  	s7 =	sadd.s32 s8, s7;
	s9 =	simm.s32 @!p0 $0x0  }
0x85: {  	s7 =	sadd.s32 s9, s7  }
0x86: {  	s7 =	smin.u32 s7, $0xF  }
0x87: {  	s31 =	sshll.u32 s7, $0x8  }
0x88: {  	s10 =	simm.s32 $0x2;
	s9 =	simm.s32 $0x100;
	s8 =	sadd.s32 s6, s31  }
0x89: {  	[tilespmem:s9], [sflag:$0x2] =	stream.linear.gather [hbm4b:s8+s4], $0x800, $0x38;
	[tilespmem:$0xA80] =	vst v63  }
0x8a: {  	_ =	swait.ge [sflag:s10], $0x800  }
0x8b: {  	[sflag:s10] =	ssyncset.done $0x0  }
0x8c: {  	[sflag:s10] =	ssyncadd.s32 $0xFFFFF800  }
0x8d: {  	v53 =	vld [tilespmem:$0x4FF];
	_ =	sdelay $0x4  }
0x8e: {  	(v2sf) =	vpush v53, $0x0;
	_ =	sdelay $0xe  }
0x8f: {  	s11 =	spop (v2sf)  }
0x90: {  	p0 =	sgt.s32 s11, s1  }
0x91: {  	s4 =	simm.s32 @!p0 $0x400  }
0x92: {  	v54 =	vld [tilespmem:s4+$0x2FF];
	_ =	sdelay $0x4  }
0x93: {  	(v2sf) =	vpush v54, $0x0;
	_ =	sdelay $0xe  }
0x94: {  	s12 =	spop (v2sf)  }
0x95: {  	s8 =	sor.u32 $0x200, s4;
	p0 =	sgt.s32 s12, s1  }
0x96: {  	s8 =	smov.u32 @p0 s4  }
0x97: {  	v55 =	vld [tilespmem:s8+$0x1FF];
	_ =	sdelay $0x4  }
0x98: {  	(v2sf) =	vpush v55, $0x0;
	_ =	sdelay $0xe  }
0x99: {  	s13 =	spop (v2sf)  }
0x9a: {  	s4 =	sor.u32 $0x100, s8;
	p0 =	sgt.s32 s13, s1  }
0x9b: {  	s4 =	smov.u32 @p0 s8  }
0x9c: {  	v56 =	vld [tilespmem:s4+$0x17F];
	_ =	sdelay $0x4  }
0x9d: {  	(v2sf) =	vpush v56, $0x0;
	_ =	sdelay $0xe  }
0x9e: {  	s14 =	spop (v2sf)  }
0x9f: {  	s8 =	sor.u32 $0x80, s4;
	p0 =	sgt.s32 s14, s1  }
0xa0: {  	s8 =	smov.u32 @p0 s4  }
0xa1: {  	v57 =	vld [tilespmem:s8+$0x13F];
	_ =	sdelay $0x4  }
0xa2: {  	(v2sf) =	vpush v57, $0x0;
	_ =	sdelay $0xe  }
0xa3: {  	s15 =	spop (v2sf)  }
0xa4: {  	s4 =	sadd.s32 $0x40, s8;
	p0 =	sgt.s32 s15, s1  }
0xa5: {  	s4 =	smov.u32 @p0 s8  }
0xa6: {  	v58 =	vld [tilespmem:s4+$0x11F];
	_ =	sdelay $0x4  }
0xa7: {  	(v2sf) =	vpush v58, $0x0;
	_ =	sdelay $0xe  }
0xa8: {  	s16 =	spop (v2sf)  }
0xa9: {  	s8 =	sadd.s32 $0x20, s4;
	p0 =	sgt.s32 s16, s1  }
0xaa: {  	s8 =	smov.u32 @p0 s4  }
0xab: {  	v59 =	vld [tilespmem:s8+$0x10F];
	_ =	sdelay $0x4  }
0xac: {  	(v2sf) =	vpush v59, $0x0;
	_ =	sdelay $0xe  }
0xad: {  	s17 =	spop (v2sf)  }
0xae: {  	s4 =	sadd.s32 $0x10, s8;
	p0 =	sgt.s32 s17, s1  }
0xaf: {  	s4 =	smov.u32 @p0 s8  }
0xb0: {  	v60 =	vld [tilespmem:s4+$0x107];
	_ =	sdelay $0x4  }
0xb1: {  	(v2sf) =	vpush v60, $0x0;
	_ =	sdelay $0xe  }
0xb2: {  	s18 =	spop (v2sf)  }
0xb3: {  	s8 =	sadd.s32 $0x8, s4;
	p0 =	sgt.s32 s18, s1  }
0xb4: {  	s8 =	smov.u32 @p0 s4  }
0xb5: {  	v61 =	vld [tilespmem:s8+$0x103];
	_ =	sdelay $0x4  }
0xb6: {  	(v2sf) =	vpush v61, $0x0;
	_ =	sdelay $0xe  }
0xb7: {  	s19 =	spop (v2sf)  }
0xb8: {  	s4 =	sadd.s32 $0x4, s8;
	p0 =	sgt.s32 s19, s1  }
0xb9: {  	s4 =	smov.u32 @p0 s8  }
0xba: {  	v62 =	vld [tilespmem:s4+$0x101];
	_ =	sdelay $0x4  }
0xbb: {  	(v2sf) =	vpush v62, $0x0;
	_ =	sdelay $0xe  }
0xbc: {  	s20 =	spop (v2sf)  }
0xbd: {  	s8 =	sadd.s32 $0x2, s4;
	p0 =	sgt.s32 s20, s1  }
0xbe: {  	s8 =	smov.u32 @p0 s4  }
0xbf: {  	v63 =	vld [tilespmem:s8+$0x100];
	_ =	sdelay $0x4  }
0xc0: {  	(v2sf) =	vpush v63, $0x0;
	_ =	sdelay $0xe  }
0xc1: {  	s21 =	spop (v2sf)  }
0xc2: {  	p0 =	sle.s32 s21, s1  }
0xc3: {  	s22 =	sshll.u32 s7, $0xB;
	s5 =	simm.s32 @!p0 $0x0  }
0xc4: {  	s4 =	sor.u32 s5, s22  }
0xc5: {  	s4 =	sadd.s32 s8, s4  }
0xc6: {  	p0 =	seq.s32 s1, $0xF;
	s4 =	sadd.s32 $0xFFFFFFFF, s4  }
0xc7: {  	s4 =	simm.s32 @p0 $0x7FFF  }
0xc8: {  	s23 =	sshll.u32 s4, $0x8;
	s4 =	sshll.u32 s4, $0x7  }
0xc9: {  	s5 =	sand.u32 $0xFFFFF800, s23;
	s4 =	sand.u32 $0x380, s4  }
0xca: {  	s4 =	sor.u32 s4, s5  }
0xcb: {  	s24 =	sshll.u32 s1, $0x4;
	s25 =	simm.s32 $0x80;
	s4 =	sshrl.u32 s4, $0x3  }
0xcc: {  	s26 =	simm.s32 $0x400;
	s28 =	simm.s32 $0x980;
	s3 =	sadd.s32 s3, s4  }
0xcd: {  	[tilespmem:s28], [sflag:$0x2] =	stream.strided.gather [hbm4b:s3+s25], $0x100, s26, s25, $0x38;
	[tilespmem:$0xA80] =	vst v63  }
0xce: {  	s29 =	sand.u32 $0x70, s24;
	s30 =	sshll.u32 s1, $0x5;
	_ =	swait.ge [sflag:s10], $0x100  }
0xcf: {  	s2 =	sadd.s32 s2, s29;
	s31 =	sand.u32 $0x100, s30;
	[sflag:s10] =	ssyncset.done $0x0  }
0xd0: {  	s2 =	sadd.s32 s31, s2;
	[sflag:s10] =	ssyncadd.s32 $0xFFFFFF00  }
0xd1: {  	[hbm4b:s2+s25] =	stream.strided.scatter [tilespmem:s28], [sflag:$0x2], $0x100, s26, s25, $0x38;
	[tilespmem:$0xA80] =	vst v63  }
0xd2: {  	_ =	swait.ge [sflag:s10], $0x100  }
0xd3: {  	[sflag:s10] =	ssyncset.done $0x0  }
0xd4: {  	[sflag:s10] =	ssyncadd.s32 $0xFFFFFF00  }
.LBB2_2:
0xd5: {  	_ =	sfence.sel $0x180000  }
0xd6: {  	[bflag:$0x0] =	sbarrier.arrive $0xFFFF  }
0xd7: {  	p0 =	sne.s32 s1, $0x0;
	_ =	strace $0x90000047  }
0xd8: {  	s0 =	sadd.s32 @!p0 $0x100000, s0;
	[bflag:$0x2] =	sbarrier.arrive $0xFFFF  }
0xd9: {  	[sflag:s0] =	ssyncadd.tile.s32 @!p0 $0x1;
	_ =	shalt  }
.Lfunc_end2:
_tile_overlayer_lowered:
.L_overlay_start_2:
0xda: {  	(tag) =	ssettag $0x2  }
0xdb: {  	s0 =	rddreg [dreg:$0x0];
	s2 =	stileid.u32  }
0xdc: {  	s1 =	rddreg [dreg:$0x1];
	p0 =	sne.s32 s2, $0x0  }
0xdd: {  	s3 =	rddreg [dreg:$0x2];
	[bflag:$0x3] =	sbarrier.arrive $0xFFFF;
	s2 =	simm.s32 @!p0 $0x1C02  }
0xde: {  	[timem:s3], [sflag:s2] =	dma.local @!p0 [hbm:s0], s1  }
0xdf: {  	s0 =	simm.s32 @!p0 $0x2  }
0xe0: {  	_ =	swait.ge @!p0 [sflag:s0], s1  }
0xe1: {  	s1 =	ssub.s32 @!p0 $0x0, s1;
	[sflag:s0] =	ssyncset.done @!p0 $0x0  }
0xe2: {  	[sflag:s0] =	ssyncadd.s32 @!p0 s1  }
0xe3: {  	[bflag:$0x3] =	sbarrier.arrive $0xFFFF  }
0xe4: {  	_ =	shalt  }

</sc_bundles>
